<compile_context>
chip_gen: v7x
topology: tpu7x:2x2x1
jax: 0.10.2.dev20260603
libtpu: 0.0.44.dev20260713+nightly
codegen_flags: <defaults>
</compile_context>

<pallas_src>
import jax
import jax.numpy as jnp
from jax import lax
from jax.experimental import pallas as pl
from jax.experimental.pallas import tpu as pltpu
from jax.experimental.pallas import tpu_sc as plsc

NC, NS = 2, 16
NW = NC * NS
NB = 4096
T = 50
D = 128
NM, NY = 13, 20
BPW = NB // NW
GROUP = 4
NGRP = BPW // GROUP
BS = 128


def _comb_body(m_ref, y_ref, o_ref):
    o_ref[...] = m_ref[...][:, None, :] + y_ref[...][None, :, :]


def _build_comb(month_table, year_table):
    out = pl.pallas_call(
        _comb_body,
        out_shape=jax.ShapeDtypeStruct((NM, NY, D), jnp.float32),
    )(month_table, year_table)
    return out.reshape(NM * NY, D)


def _cidx_body(x_ref, k_ref, o_ref):
    c = jnp.dot(x_ref[...].astype(jnp.float32), k_ref[...],
                preferred_element_type=jnp.float32)
    o_ref[...] = c.astype(jnp.int32)


def _build_cidx(x2d):
    tt = lax.broadcasted_iota(jnp.int32, (2 * T, T), 0)
    tc = lax.broadcasted_iota(jnp.int32, (2 * T, T), 1)
    k = jnp.where(tt == 2 * tc, 20.0,
                  jnp.where(tt == 2 * tc + 1, 1.0, 0.0)).astype(jnp.float32)
    return pl.pallas_call(
        _cidx_body,
        grid=(NB // BS,),
        in_specs=[pl.BlockSpec((BS, 2 * T), lambda i: (i, 0)),
                  pl.BlockSpec((2 * T, T), lambda i: (0, 0))],
        out_specs=pl.BlockSpec((BS, T), lambda i: (i, 0)),
        out_shape=jax.ShapeDtypeStruct((NB, T), jnp.int32),
    )(x2d, k)


def _sc_body(cidx_hbm, comb_hbm, out_hbm, cv, bank0, bank1,
             gsem0, gsem1, ssem0, ssem1):
    wid = lax.axis_index("s") * NC + lax.axis_index("c")
    b0 = wid * BPW

    pltpu.sync_copy(cidx_hbm.at[pl.ds(b0, BPW)], cv)

    def ig(bank, sem, g):
        for q in range(GROUP):
            pltpu.async_copy(
                comb_hbm.at[cv.at[g * GROUP + q, pl.ds(0, T)]],
                bank.at[q], sem)

    def wg(bank, sem):
        for q in range(GROUP):
            pltpu.make_async_copy(
                comb_hbm.at[cv.at[0, pl.ds(0, T)]], bank.at[q], sem).wait()

    def isc(bank, sem, g):
        pltpu.async_copy(
            bank, out_hbm.at[pl.ds(b0 + g * GROUP, GROUP)], sem)

    def wsc(bank, sem):
        pltpu.make_async_copy(
            bank, out_hbm.at[pl.ds(b0, GROUP)], sem).wait()

    ig(bank0, gsem0, 0)
    ig(bank1, gsem1, 1)

    def step(g, bank, gsem, ssem, prefetch):
        wg(bank, gsem)
        isc(bank, ssem, g)
        wsc(bank, ssem)
        if prefetch:
            ig(bank, gsem, g + 2)

    def pair(t, carry):
        step(t * 2, bank0, gsem0, ssem0, True)
        step(t * 2 + 1, bank1, gsem1, ssem1, True)
        return carry
    lax.fori_loop(0, NGRP // 2 - 1, pair, 0)

    step(NGRP - 2, bank0, gsem0, ssem0, False)
    step(NGRP - 1, bank1, gsem1, ssem1, False)


def _sc_call(cidx, comb):
    mesh = plsc.VectorSubcoreMesh(
        core_axis_name="c", subcore_axis_name="s",
        num_cores=NC, num_subcores=NS)
    fn = pl.kernel(
        _sc_body,
        out_type=jax.ShapeDtypeStruct((NB, T, D), jnp.float32),
        mesh=mesh,
        compiler_params=pltpu.CompilerParams(
            needs_layout_passes=False, use_tc_tiling_on_sc=True),
        scratch_types=[
            pltpu.VMEM((BPW, T), jnp.int32),
            pltpu.VMEM((GROUP, T, D), jnp.float32),
            pltpu.VMEM((GROUP, T, D), jnp.float32),
            pltpu.SemaphoreType.DMA,
            pltpu.SemaphoreType.DMA,
            pltpu.SemaphoreType.DMA,
            pltpu.SemaphoreType.DMA,
        ],
    )
    return fn(cidx, comb)


def kernel(x, month_table, year_table):
    x2d = x.astype(jnp.int32).reshape(NB, 2 * T)
    comb = _build_comb(month_table, year_table)
    cidx = _build_cidx(x2d)
    return _sc_call(cidx, comb)

# --- scband reference (transcript-rebuilt; emitter-appended) ---
"""Pipeline reference for scband-temporal-embedding-82789789597829 (READ-ONLY COPY).

The authoritative reference and input builder live on the scoring server;
editing this copy changes nothing except your own understanding.
"""

import jax, jax.numpy as jnp
import numpy as np


def setup_inputs(seed: int = 0) -> dict:
    key = jax.random.key(seed)
    k1, k2, k3 = jax.random.split(key, 3)
    x = jax.random.randint(k1, (4096, 50, 2), 0, 13, dtype=jnp.int64) if jax.config.jax_enable_x64 else jax.random.randint(k1, (4096, 50, 2), 0, 13, dtype=jnp.int32)
    month_table = jax.random.normal(k2, (13, 128), dtype=jnp.float32)
    year_table = jax.random.normal(k3, (20, 128), dtype=jnp.float32)
    return {"x": x, "month_table": month_table, "year_table": year_table}


def reference(x, month_table, year_table):
    # month_embed(x[:, :, 0]) + year_embed(x[:, :, 1])
    month_idx = x[:, :, 0].astype(jnp.int32)
    year_idx = x[:, :, 1].astype(jnp.int32)
    month_x = jnp.take(month_table, month_idx, axis=0)
    year_x = jnp.take(year_table, year_idx, axis=0)
    return month_x + year_x

if __name__ == "__main__":
    import jax
    _d = setup_inputs()
    print(jax.jit(kernel)(*tuple(_d.values())))

</pallas_src>

<mosaic_0001>
#map = affine_map<(d0, d1) -> (0, 0)>
#map1 = affine_map<(d0, d1) -> (0, 0, 0)>
module attributes {stable_mosaic.version = 14 : i64} {
  func.func @_sc_body(%arg0: i32, %arg1: i32, %arg2: memref<4096x50xi32, #tpu.memory_space<hbm>>, %arg3: memref<260x128xf32, #tpu.memory_space<hbm>>, %arg4: memref<4096x50x128xf32, #tpu.memory_space<hbm>>, %arg5: memref<128x50xi32, #tpu.memory_space<vmem>>, %arg6: memref<4x50x128xf32, #tpu.memory_space<vmem>>, %arg7: memref<4x50x128xf32, #tpu.memory_space<vmem>>, %arg8: memref<!tpu.dma_semaphore, #tpu.memory_space<semaphore_mem>>, %arg9: memref<!tpu.dma_semaphore, #tpu.memory_space<semaphore_mem>>, %arg10: memref<!tpu.dma_semaphore, #tpu.memory_space<semaphore_mem>>, %arg11: memref<!tpu.dma_semaphore, #tpu.memory_space<semaphore_mem>>) attributes {dimension_semantics = [#tpu.dimension_semantics<core_parallel>, #tpu.dimension_semantics<subcore_parallel>], iteration_bounds = array<i64: 2, 16>, scalar_prefetch = 0 : i64, scratch_operands = 7 : i64, tpu.core_type = #tpu.core_type<sc_vector_subcore>, window_params = [{transform_indices = #map}, {transform_indices = #map}, {transform_indices = #map1}]} {
    %mul3A = arith.constant 2 : i32
    %mul3A_0 = arith.muli %arg1, %mul3A : i32
    %add3A = arith.addi %mul3A_0, %arg0 : i32
    %mul3A_1 = arith.constant 128 : i32
    %mul3A_2 = arith.muli %add3A, %mul3A_1 : i32
    "tpu.region"() ({
      %run_scoped3A = tpu.sem_alloc : memref<!tpu.dma_semaphore, #tpu.memory_space<semaphore_mem>>
      %dma_start3A_226 = arith.constant 0 : i32
      %dma_start3A_227 = tpu.memref_slice %arg2[%mul3A_2, %dma_start3A_226] : memref<4096x50xi32, #tpu.memory_space<hbm>> -> memref<128x50xi32, #tpu.memory_space<hbm>>
      %dma_start3A_228 = arith.constant 0 : i32
      %dma_start3A_229 = tpu.memref_slice %arg2[%mul3A_2, %dma_start3A_228] : memref<4096x50xi32, #tpu.memory_space<hbm>> -> memref<128x50xi32, #tpu.memory_space<hbm>>
      tpu.enqueue_dma source(%dma_start3A_229 : memref<128x50xi32, #tpu.memory_space<hbm>>) target(%arg5 : memref<128x50xi32, #tpu.memory_space<vmem>>) target_semaphore(%run_scoped3A : memref<!tpu.dma_semaphore, #tpu.memory_space<semaphore_mem>>)
      %dma_wait3A_230 = arith.constant 0 : i32
      %dma_wait3A_231 = tpu.memref_slice %arg2[%mul3A_2, %dma_wait3A_230] : memref<4096x50xi32, #tpu.memory_space<hbm>> -> memref<128x50xi32, #tpu.memory_space<hbm>>
      %dma_wait3A_232 = arith.constant 0 : i32
      %dma_wait3A_233 = tpu.memref_slice %arg2[%mul3A_2, %dma_wait3A_232] : memref<4096x50xi32, #tpu.memory_space<hbm>> -> memref<128x50xi32, #tpu.memory_space<hbm>>
      tpu.wait_dma2 semaphore(%run_scoped3A : memref<!tpu.dma_semaphore, #tpu.memory_space<semaphore_mem>>) src(%dma_wait3A_233 : memref<128x50xi32, #tpu.memory_space<hbm>>) dst(%arg5 : memref<128x50xi32, #tpu.memory_space<vmem>>)
      tpu.yield
    }) : () -> ()
    %dma_start3A = arith.constant 0 : i32
    %dma_start3A_3 = arith.constant 0 : i32
    %dma_start3A_4 = arith.constant 0 : i32
    %dma_start3A_5 = arith.constant 0 : i32
    %dma_start3A_6 = tpu.memref_slice %arg6[%dma_start3A_3, %dma_start3A_4, %dma_start3A_5] : memref<4x50x128xf32, #tpu.memory_space<vmem>> -> memref<1x50x128xf32, #tpu.memory_space<vmem>>
    %dma_start3A_7 = tpu.memref_squeeze %dma_start3A_6 : memref<1x50x128xf32, #tpu.memory_space<vmem>> -> memref<50x128xf32, #tpu.memory_space<vmem>>
    %dma_start3A_8 = arith.constant 0 : i32
    %dma_start3A_9 = tpu.memref_slice %arg5[%dma_start3A, %dma_start3A_8] : memref<128x50xi32, #tpu.memory_space<vmem>> -> memref<1x50xi32, #tpu.memory_space<vmem>>
    %dma_start3A_10 = tpu.memref_squeeze %dma_start3A_9 : memref<1x50xi32, #tpu.memory_space<vmem>> -> memref<50xi32, #tpu.memory_space<vmem>>
    %dma_start3A_11 = arith.constant 0 : i32
    %dma_start3A_12 = arith.constant 0 : i32
    %dma_start3A_13 = tpu.memref_slice %arg3[%dma_start3A_11, %dma_start3A_12] : memref<260x128xf32, #tpu.memory_space<hbm>> -> memref<260x128xf32, #tpu.memory_space<hbm>>
    tpu.enqueue_indirect_dma source(%dma_start3A_13 : memref<260x128xf32, #tpu.memory_space<hbm>>) target(%dma_start3A_7 : memref<50x128xf32, #tpu.memory_space<vmem>>) offsets(%dma_start3A_10 : memref<50xi32, #tpu.memory_space<vmem>>) semaphore(%arg8 : memref<!tpu.dma_semaphore, #tpu.memory_space<semaphore_mem>>)
    %dma_start3A_14 = arith.constant 1 : i32
    %dma_start3A_15 = arith.constant 1 : i32
    %dma_start3A_16 = arith.constant 0 : i32
    %dma_start3A_17 = arith.constant 0 : i32
    %dma_start3A_18 = tpu.memref_slice %arg6[%dma_start3A_15, %dma_start3A_16, %dma_start3A_17] : memref<4x50x128xf32, #tpu.memory_space<vmem>> -> memref<1x50x128xf32, #tpu.memory_space<vmem>>
    %dma_start3A_19 = tpu.memref_squeeze %dma_start3A_18 : memref<1x50x128xf32, #tpu.memory_space<vmem>> -> memref<50x128xf32, #tpu.memory_space<vmem>>
    %dma_start3A_20 = arith.constant 0 : i32
    %dma_start3A_21 = tpu.memref_slice %arg5[%dma_start3A_14, %dma_start3A_20] : memref<128x50xi32, #tpu.memory_space<vmem>> -> memref<1x50xi32, #tpu.memory_space<vmem>>
    %dma_start3A_22 = tpu.memref_squeeze %dma_start3A_21 : memref<1x50xi32, #tpu.memory_space<vmem>> -> memref<50xi32, #tpu.memory_space<vmem>>
    %dma_start3A_23 = arith.constant 0 : i32
    %dma_start3A_24 = arith.constant 0 : i32
    %dma_start3A_25 = tpu.memref_slice %arg3[%dma_start3A_23, %dma_start3A_24] : memref<260x128xf32, #tpu.memory_space<hbm>> -> memref<260x128xf32, #tpu.memory_space<hbm>>
    tpu.enqueue_indirect_dma source(%dma_start3A_25 : memref<260x128xf32, #tpu.memory_space<hbm>>) target(%dma_start3A_19 : memref<50x128xf32, #tpu.memory_space<vmem>>) offsets(%dma_start3A_22 : memref<50xi32, #tpu.memory_space<vmem>>) semaphore(%arg8 : memref<!tpu.dma_semaphore, #tpu.memory_space<semaphore_mem>>)
    %dma_start3A_26 = arith.constant 2 : i32
    %dma_start3A_27 = arith.constant 2 : i32
    %dma_start3A_28 = arith.constant 0 : i32
    %dma_start3A_29 = arith.constant 0 : i32
    %dma_start3A_30 = tpu.memref_slice %arg6[%dma_start3A_27, %dma_start3A_28, %dma_start3A_29] : memref<4x50x128xf32, #tpu.memory_space<vmem>> -> memref<1x50x128xf32, #tpu.memory_space<vmem>>
    %dma_start3A_31 = tpu.memref_squeeze %dma_start3A_30 : memref<1x50x128xf32, #tpu.memory_space<vmem>> -> memref<50x128xf32, #tpu.memory_space<vmem>>
    %dma_start3A_32 = arith.constant 0 : i32
    %dma_start3A_33 = tpu.memref_slice %arg5[%dma_start3A_26, %dma_start3A_32] : memref<128x50xi32, #tpu.memory_space<vmem>> -> memref<1x50xi32, #tpu.memory_space<vmem>>
    %dma_start3A_34 = tpu.memref_squeeze %dma_start3A_33 : memref<1x50xi32, #tpu.memory_space<vmem>> -> memref<50xi32, #tpu.memory_space<vmem>>
    %dma_start3A_35 = arith.constant 0 : i32
    %dma_start3A_36 = arith.constant 0 : i32
    %dma_start3A_37 = tpu.memref_slice %arg3[%dma_start3A_35, %dma_start3A_36] : memref<260x128xf32, #tpu.memory_space<hbm>> -> memref<260x128xf32, #tpu.memory_space<hbm>>
    tpu.enqueue_indirect_dma source(%dma_start3A_37 : memref<260x128xf32, #tpu.memory_space<hbm>>) target(%dma_start3A_31 : memref<50x128xf32, #tpu.memory_space<vmem>>) offsets(%dma_start3A_34 : memref<50xi32, #tpu.memory_space<vmem>>) semaphore(%arg8 : memref<!tpu.dma_semaphore, #tpu.memory_space<semaphore_mem>>)
    %dma_start3A_38 = arith.constant 3 : i32
    %dma_start3A_39 = arith.constant 3 : i32
    %dma_start3A_40 = arith.constant 0 : i32
    %dma_start3A_41 = arith.constant 0 : i32
    %dma_start3A_42 = tpu.memref_slice %arg6[%dma_start3A_39, %dma_start3A_40, %dma_start3A_41] : memref<4x50x128xf32, #tpu.memory_space<vmem>> -> memref<1x50x128xf32, #tpu.memory_space<vmem>>
    %dma_start3A_43 = tpu.memref_squeeze %dma_start3A_42 : memref<1x50x128xf32, #tpu.memory_space<vmem>> -> memref<50x128xf32, #tpu.memory_space<vmem>>
    %dma_start3A_44 = arith.constant 0 : i32
    %dma_start3A_45 = tpu.memref_slice %arg5[%dma_start3A_38, %dma_start3A_44] : memref<128x50xi32, #tpu.memory_space<vmem>> -> memref<1x50xi32, #tpu.memory_space<vmem>>
    %dma_start3A_46 = tpu.memref_squeeze %dma_start3A_45 : memref<1x50xi32, #tpu.memory_space<vmem>> -> memref<50xi32, #tpu.memory_space<vmem>>
    %dma_start3A_47 = arith.constant 0 : i32
    %dma_start3A_48 = arith.constant 0 : i32
    %dma_start3A_49 = tpu.memref_slice %arg3[%dma_start3A_47, %dma_start3A_48] : memref<260x128xf32, #tpu.memory_space<hbm>> -> memref<260x128xf32, #tpu.memory_space<hbm>>
    tpu.enqueue_indirect_dma source(%dma_start3A_49 : memref<260x128xf32, #tpu.memory_space<hbm>>) target(%dma_start3A_43 : memref<50x128xf32, #tpu.memory_space<vmem>>) offsets(%dma_start3A_46 : memref<50xi32, #tpu.memory_space<vmem>>) semaphore(%arg8 : memref<!tpu.dma_semaphore, #tpu.memory_space<semaphore_mem>>)
    %dma_start3A_50 = arith.constant 4 : i32
    %dma_start3A_51 = arith.constant 0 : i32
    %dma_start3A_52 = arith.constant 0 : i32
    %dma_start3A_53 = arith.constant 0 : i32
    %dma_start3A_54 = tpu.memref_slice %arg7[%dma_start3A_51, %dma_start3A_52, %dma_start3A_53] : memref<4x50x128xf32, #tpu.memory_space<vmem>> -> memref<1x50x128xf32, #tpu.memory_space<vmem>>
    %dma_start3A_55 = tpu.memref_squeeze %dma_start3A_54 : memref<1x50x128xf32, #tpu.memory_space<vmem>> -> memref<50x128xf32, #tpu.memory_space<vmem>>
    %dma_start3A_56 = arith.constant 0 : i32
    %dma_start3A_57 = tpu.memref_slice %arg5[%dma_start3A_50, %dma_start3A_56] : memref<128x50xi32, #tpu.memory_space<vmem>> -> memref<1x50xi32, #tpu.memory_space<vmem>>
    %dma_start3A_58 = tpu.memref_squeeze %dma_start3A_57 : memref<1x50xi32, #tpu.memory_space<vmem>> -> memref<50xi32, #tpu.memory_space<vmem>>
    %dma_start3A_59 = arith.constant 0 : i32
    %dma_start3A_60 = arith.constant 0 : i32
    %dma_start3A_61 = tpu.memref_slice %arg3[%dma_start3A_59, %dma_start3A_60] : memref<260x128xf32, #tpu.memory_space<hbm>> -> memref<260x128xf32, #tpu.memory_space<hbm>>
    tpu.enqueue_indirect_dma source(%dma_start3A_61 : memref<260x128xf32, #tpu.memory_space<hbm>>) target(%dma_start3A_55 : memref<50x128xf32, #tpu.memory_space<vmem>>) offsets(%dma_start3A_58 : memref<50xi32, #tpu.memory_space<vmem>>) semaphore(%arg9 : memref<!tpu.dma_semaphore, #tpu.memory_space<semaphore_mem>>)
    %dma_start3A_62 = arith.constant 5 : i32
    %dma_start3A_63 = arith.constant 1 : i32
    %dma_start3A_64 = arith.constant 0 : i32
    %dma_start3A_65 = arith.constant 0 : i32
    %dma_start3A_66 = tpu.memref_slice %arg7[%dma_start3A_63, %dma_start3A_64, %dma_start3A_65] : memref<4x50x128xf32, #tpu.memory_space<vmem>> -> memref<1x50x128xf32, #tpu.memory_space<vmem>>
    %dma_start3A_67 = tpu.memref_squeeze %dma_start3A_66 : memref<1x50x128xf32, #tpu.memory_space<vmem>> -> memref<50x128xf32, #tpu.memory_space<vmem>>
    %dma_start3A_68 = arith.constant 0 : i32
    %dma_start3A_69 = tpu.memref_slice %arg5[%dma_start3A_62, %dma_start3A_68] : memref<128x50xi32, #tpu.memory_space<vmem>> -> memref<1x50xi32, #tpu.memory_space<vmem>>
    %dma_start3A_70 = tpu.memref_squeeze %dma_start3A_69 : memref<1x50xi32, #tpu.memory_space<vmem>> -> memref<50xi32, #tpu.memory_space<vmem>>
    %dma_start3A_71 = arith.constant 0 : i32
    %dma_start3A_72 = arith.constant 0 : i32
    %dma_start3A_73 = tpu.memref_slice %arg3[%dma_start3A_71, %dma_start3A_72] : memref<260x128xf32, #tpu.memory_space<hbm>> -> memref<260x128xf32, #tpu.memory_space<hbm>>
    tpu.enqueue_indirect_dma source(%dma_start3A_73 : memref<260x128xf32, #tpu.memory_space<hbm>>) target(%dma_start3A_67 : memref<50x128xf32, #tpu.memory_space<vmem>>) offsets(%dma_start3A_70 : memref<50xi32, #tpu.memory_space<vmem>>) semaphore(%arg9 : memref<!tpu.dma_semaphore, #tpu.memory_space<semaphore_mem>>)
    %dma_start3A_74 = arith.constant 6 : i32
    %dma_start3A_75 = arith.constant 2 : i32
    %dma_start3A_76 = arith.constant 0 : i32
    %dma_start3A_77 = arith.constant 0 : i32
    %dma_start3A_78 = tpu.memref_slice %arg7[%dma_start3A_75, %dma_start3A_76, %dma_start3A_77] : memref<4x50x128xf32, #tpu.memory_space<vmem>> -> memref<1x50x128xf32, #tpu.memory_space<vmem>>
    %dma_start3A_79 = tpu.memref_squeeze %dma_start3A_78 : memref<1x50x128xf32, #tpu.memory_space<vmem>> -> memref<50x128xf32, #tpu.memory_space<vmem>>
    %dma_start3A_80 = arith.constant 0 : i32
    %dma_start3A_81 = tpu.memref_slice %arg5[%dma_start3A_74, %dma_start3A_80] : memref<128x50xi32, #tpu.memory_space<vmem>> -> memref<1x50xi32, #tpu.memory_space<vmem>>
    %dma_start3A_82 = tpu.memref_squeeze %dma_start3A_81 : memref<1x50xi32, #tpu.memory_space<vmem>> -> memref<50xi32, #tpu.memory_space<vmem>>
    %dma_start3A_83 = arith.constant 0 : i32
    %dma_start3A_84 = arith.constant 0 : i32
    %dma_start3A_85 = tpu.memref_slice %arg3[%dma_start3A_83, %dma_start3A_84] : memref<260x128xf32, #tpu.memory_space<hbm>> -> memref<260x128xf32, #tpu.memory_space<hbm>>
    tpu.enqueue_indirect_dma source(%dma_start3A_85 : memref<260x128xf32, #tpu.memory_space<hbm>>) target(%dma_start3A_79 : memref<50x128xf32, #tpu.memory_space<vmem>>) offsets(%dma_start3A_82 : memref<50xi32, #tpu.memory_space<vmem>>) semaphore(%arg9 : memref<!tpu.dma_semaphore, #tpu.memory_space<semaphore_mem>>)
    %dma_start3A_86 = arith.constant 7 : i32
    %dma_start3A_87 = arith.constant 3 : i32
    %dma_start3A_88 = arith.constant 0 : i32
    %dma_start3A_89 = arith.constant 0 : i32
    %dma_start3A_90 = tpu.memref_slice %arg7[%dma_start3A_87, %dma_start3A_88, %dma_start3A_89] : memref<4x50x128xf32, #tpu.memory_space<vmem>> -> memref<1x50x128xf32, #tpu.memory_space<vmem>>
    %dma_start3A_91 = tpu.memref_squeeze %dma_start3A_90 : memref<1x50x128xf32, #tpu.memory_space<vmem>> -> memref<50x128xf32, #tpu.memory_space<vmem>>
    %dma_start3A_92 = arith.constant 0 : i32
    %dma_start3A_93 = tpu.memref_slice %arg5[%dma_start3A_86, %dma_start3A_92] : memref<128x50xi32, #tpu.memory_space<vmem>> -> memref<1x50xi32, #tpu.memory_space<vmem>>
    %dma_start3A_94 = tpu.memref_squeeze %dma_start3A_93 : memref<1x50xi32, #tpu.memory_space<vmem>> -> memref<50xi32, #tpu.memory_space<vmem>>
    %dma_start3A_95 = arith.constant 0 : i32
    %dma_start3A_96 = arith.constant 0 : i32
    %dma_start3A_97 = tpu.memref_slice %arg3[%dma_start3A_95, %dma_start3A_96] : memref<260x128xf32, #tpu.memory_space<hbm>> -> memref<260x128xf32, #tpu.memory_space<hbm>>
    tpu.enqueue_indirect_dma source(%dma_start3A_97 : memref<260x128xf32, #tpu.memory_space<hbm>>) target(%dma_start3A_91 : memref<50x128xf32, #tpu.memory_space<vmem>>) offsets(%dma_start3A_94 : memref<50xi32, #tpu.memory_space<vmem>>) semaphore(%arg9 : memref<!tpu.dma_semaphore, #tpu.memory_space<semaphore_mem>>)
    %scan3A = arith.constant 0 : i32
    %scan3A_98 = arith.constant 0 : i32
    %scan3A_99 = arith.constant 15 : i32
    %scan3A_100 = arith.addi %scan3A_98, %scan3A_99 : i32
    %scan3A_101 = arith.constant 1 : i32
    scf.for %scan3A_226 = %scan3A_98 to %scan3A_100 step %scan3A_101  : i32 {
      %mul3A_227 = arith.constant 2 : i32
      %mul3A_228 = arith.muli %scan3A_226, %mul3A_227 : i32
      %dma_wait3A_229 = arith.constant 0 : i32
      %dma_wait3A_230 = arith.constant 0 : i32
      %dma_wait3A_231 = arith.constant 0 : i32
      %dma_wait3A_232 = arith.constant 0 : i32
      %dma_wait3A_233 = tpu.memref_slice %arg6[%dma_wait3A_230, %dma_wait3A_231, %dma_wait3A_232] : memref<4x50x128xf32, #tpu.memory_space<vmem>> -> memref<1x50x128xf32, #tpu.memory_space<vmem>>
      %dma_wait3A_234 = tpu.memref_squeeze %dma_wait3A_233 : memref<1x50x128xf32, #tpu.memory_space<vmem>> -> memref<50x128xf32, #tpu.memory_space<vmem>>
      %dma_wait3A_235 = arith.constant 0 : i32
      %dma_wait3A_236 = tpu.memref_slice %arg5[%dma_wait3A_229, %dma_wait3A_235] : memref<128x50xi32, #tpu.memory_space<vmem>> -> memref<1x50xi32, #tpu.memory_space<vmem>>
      %dma_wait3A_237 = tpu.memref_squeeze %dma_wait3A_236 : memref<1x50xi32, #tpu.memory_space<vmem>> -> memref<50xi32, #tpu.memory_space<vmem>>
      %dma_wait3A_238 = arith.constant 0 : i32
      %dma_wait3A_239 = arith.constant 0 : i32
      %dma_wait3A_240 = tpu.memref_slice %arg3[%dma_wait3A_238, %dma_wait3A_239] : memref<260x128xf32, #tpu.memory_space<hbm>> -> memref<260x128xf32, #tpu.memory_space<hbm>>
      tpu.wait_indirect_dma semaphore(%arg8 : memref<!tpu.dma_semaphore, #tpu.memory_space<semaphore_mem>>) src(%dma_wait3A_240 : memref<260x128xf32, #tpu.memory_space<hbm>>) dst(%dma_wait3A_234 : memref<50x128xf32, #tpu.memory_space<vmem>>)
      %dma_wait3A_241 = arith.constant 0 : i32
      %dma_wait3A_242 = arith.constant 1 : i32
      %dma_wait3A_243 = arith.constant 0 : i32
      %dma_wait3A_244 = arith.constant 0 : i32
      %dma_wait3A_245 = tpu.memref_slice %arg6[%dma_wait3A_242, %dma_wait3A_243, %dma_wait3A_244] : memref<4x50x128xf32, #tpu.memory_space<vmem>> -> memref<1x50x128xf32, #tpu.memory_space<vmem>>
      %dma_wait3A_246 = tpu.memref_squeeze %dma_wait3A_245 : memref<1x50x128xf32, #tpu.memory_space<vmem>> -> memref<50x128xf32, #tpu.memory_space<vmem>>
      %dma_wait3A_247 = arith.constant 0 : i32
      %dma_wait3A_248 = tpu.memref_slice %arg5[%dma_wait3A_241, %dma_wait3A_247] : memref<128x50xi32, #tpu.memory_space<vmem>> -> memref<1x50xi32, #tpu.memory_space<vmem>>
      %dma_wait3A_249 = tpu.memref_squeeze %dma_wait3A_248 : memref<1x50xi32, #tpu.memory_space<vmem>> -> memref<50xi32, #tpu.memory_space<vmem>>
      %dma_wait3A_250 = arith.constant 0 : i32
      %dma_wait3A_251 = arith.constant 0 : i32
      %dma_wait3A_252 = tpu.memref_slice %arg3[%dma_wait3A_250, %dma_wait3A_251] : memref<260x128xf32, #tpu.memory_space<hbm>> -> memref<260x128xf32, #tpu.memory_space<hbm>>
      tpu.wait_indirect_dma semaphore(%arg8 : memref<!tpu.dma_semaphore, #tpu.memory_space<semaphore_mem>>) src(%dma_wait3A_252 : memref<260x128xf32, #tpu.memory_space<hbm>>) dst(%dma_wait3A_246 : memref<50x128xf32, #tpu.memory_space<vmem>>)
      %dma_wait3A_253 = arith.constant 0 : i32
      %dma_wait3A_254 = arith.constant 2 : i32
      %dma_wait3A_255 = arith.constant 0 : i32
      %dma_wait3A_256 = arith.constant 0 : i32
      %dma_wait3A_257 = tpu.memref_slice %arg6[%dma_wait3A_254, %dma_wait3A_255, %dma_wait3A_256] : memref<4x50x128xf32, #tpu.memory_space<vmem>> -> memref<1x50x128xf32, #tpu.memory_space<vmem>>
      %dma_wait3A_258 = tpu.memref_squeeze %dma_wait3A_257 : memref<1x50x128xf32, #tpu.memory_space<vmem>> -> memref<50x128xf32, #tpu.memory_space<vmem>>
      %dma_wait3A_259 = arith.constant 0 : i32
      %dma_wait3A_260 = tpu.memref_slice %arg5[%dma_wait3A_253, %dma_wait3A_259] : memref<128x50xi32, #tpu.memory_space<vmem>> -> memref<1x50xi32, #tpu.memory_space<vmem>>
      %dma_wait3A_261 = tpu.memref_squeeze %dma_wait3A_260 : memref<1x50xi32, #tpu.memory_space<vmem>> -> memref<50xi32, #tpu.memory_space<vmem>>
      %dma_wait3A_262 = arith.constant 0 : i32
      %dma_wait3A_263 = arith.constant 0 : i32
      %dma_wait3A_264 = tpu.memref_slice %arg3[%dma_wait3A_262, %dma_wait3A_263] : memref<260x128xf32, #tpu.memory_space<hbm>> -> memref<260x128xf32, #tpu.memory_space<hbm>>
      tpu.wait_indirect_dma semaphore(%arg8 : memref<!tpu.dma_semaphore, #tpu.memory_space<semaphore_mem>>) src(%dma_wait3A_264 : memref<260x128xf32, #tpu.memory_space<hbm>>) dst(%dma_wait3A_258 : memref<50x128xf32, #tpu.memory_space<vmem>>)
      %dma_wait3A_265 = arith.constant 0 : i32
      %dma_wait3A_266 = arith.constant 3 : i32
      %dma_wait3A_267 = arith.constant 0 : i32
      %dma_wait3A_268 = arith.constant 0 : i32
      %dma_wait3A_269 = tpu.memref_slice %arg6[%dma_wait3A_266, %dma_wait3A_267, %dma_wait3A_268] : memref<4x50x128xf32, #tpu.memory_space<vmem>> -> memref<1x50x128xf32, #tpu.memory_space<vmem>>
      %dma_wait3A_270 = tpu.memref_squeeze %dma_wait3A_269 : memref<1x50x128xf32, #tpu.memory_space<vmem>> -> memref<50x128xf32, #tpu.memory_space<vmem>>
      %dma_wait3A_271 = arith.constant 0 : i32
      %dma_wait3A_272 = tpu.memref_slice %arg5[%dma_wait3A_265, %dma_wait3A_271] : memref<128x50xi32, #tpu.memory_space<vmem>> -> memref<1x50xi32, #tpu.memory_space<vmem>>
      %dma_wait3A_273 = tpu.memref_squeeze %dma_wait3A_272 : memref<1x50xi32, #tpu.memory_space<vmem>> -> memref<50xi32, #tpu.memory_space<vmem>>
      %dma_wait3A_274 = arith.constant 0 : i32
      %dma_wait3A_275 = arith.constant 0 : i32
      %dma_wait3A_276 = tpu.memref_slice %arg3[%dma_wait3A_274, %dma_wait3A_275] : memref<260x128xf32, #tpu.memory_space<hbm>> -> memref<260x128xf32, #tpu.memory_space<hbm>>
      tpu.wait_indirect_dma semaphore(%arg8 : memref<!tpu.dma_semaphore, #tpu.memory_space<semaphore_mem>>) src(%dma_wait3A_276 : memref<260x128xf32, #tpu.memory_space<hbm>>) dst(%dma_wait3A_270 : memref<50x128xf32, #tpu.memory_space<vmem>>)
      %mul3A_277 = arith.constant 4 : i32
      %mul3A_278 = arith.muli %mul3A_228, %mul3A_277 : i32
      %add3A_279 = arith.addi %mul3A_2, %mul3A_278 : i32
      %dma_start3A_280 = arith.constant 0 : i32
      %dma_start3A_281 = arith.constant 0 : i32
      %dma_start3A_282 = tpu.memref_slice %arg4[%add3A_279, %dma_start3A_280, %dma_start3A_281] : memref<4096x50x128xf32, #tpu.memory_space<hbm>> -> memref<4x50x128xf32, #tpu.memory_space<hbm>>
      %dma_start3A_283 = arith.constant 0 : i32
      %dma_start3A_284 = arith.constant 0 : i32
      %dma_start3A_285 = tpu.memref_slice %arg4[%add3A_279, %dma_start3A_283, %dma_start3A_284] : memref<4096x50x128xf32, #tpu.memory_space<hbm>> -> memref<4x50x128xf32, #tpu.memory_space<hbm>>
      tpu.enqueue_dma source(%arg6 : memref<4x50x128xf32, #tpu.memory_space<vmem>>) target(%dma_start3A_285 : memref<4x50x128xf32, #tpu.memory_space<hbm>>) target_semaphore(%arg10 : memref<!tpu.dma_semaphore, #tpu.memory_space<semaphore_mem>>)
      %dma_wait3A_286 = arith.constant 0 : i32
      %dma_wait3A_287 = arith.constant 0 : i32
      %dma_wait3A_288 = tpu.memref_slice %arg4[%mul3A_2, %dma_wait3A_286, %dma_wait3A_287] : memref<4096x50x128xf32, #tpu.memory_space<hbm>> -> memref<4x50x128xf32, #tpu.memory_space<hbm>>
      %dma_wait3A_289 = arith.constant 0 : i32
      %dma_wait3A_290 = arith.constant 0 : i32
      %dma_wait3A_291 = tpu.memref_slice %arg4[%mul3A_2, %dma_wait3A_289, %dma_wait3A_290] : memref<4096x50x128xf32, #tpu.memory_space<hbm>> -> memref<4x50x128xf32, #tpu.memory_space<hbm>>
      tpu.wait_dma2 semaphore(%arg10 : memref<!tpu.dma_semaphore, #tpu.memory_space<semaphore_mem>>) src(%arg6 : memref<4x50x128xf32, #tpu.memory_space<vmem>>) dst(%dma_wait3A_291 : memref<4x50x128xf32, #tpu.memory_space<hbm>>)
      %add3A_292 = arith.constant 2 : i32
      %add3A_293 = arith.addi %mul3A_228, %add3A_292 : i32
      %mul3A_294 = arith.constant 4 : i32
      %mul3A_295 = arith.muli %add3A_293, %mul3A_294 : i32
      %add3A_296 = arith.constant 0 : i32
      %add3A_297 = arith.addi %mul3A_295, %add3A_296 : i32
      %dma_start3A_298 = arith.constant 0 : i32
      %dma_start3A_299 = arith.constant 0 : i32
      %dma_start3A_300 = arith.constant 0 : i32
      %dma_start3A_301 = tpu.memref_slice %arg6[%dma_start3A_298, %dma_start3A_299, %dma_start3A_300] : memref<4x50x128xf32, #tpu.memory_space<vmem>> -> memref<1x50x128xf32, #tpu.memory_space<vmem>>
      %dma_start3A_302 = tpu.memref_squeeze %dma_start3A_301 : memref<1x50x128xf32, #tpu.memory_space<vmem>> -> memref<50x128xf32, #tpu.memory_space<vmem>>
      %dma_start3A_303 = arith.constant 0 : i32
      %dma_start3A_304 = tpu.memref_slice %arg5[%add3A_297, %dma_start3A_303] : memref<128x50xi32, #tpu.memory_space<vmem>> -> memref<1x50xi32, #tpu.memory_space<vmem>>
      %dma_start3A_305 = tpu.memref_squeeze %dma_start3A_304 : memref<1x50xi32, #tpu.memory_space<vmem>> -> memref<50xi32, #tpu.memory_space<vmem>>
      %dma_start3A_306 = arith.constant 0 : i32
      %dma_start3A_307 = arith.constant 0 : i32
      %dma_start3A_308 = tpu.memref_slice %arg3[%dma_start3A_306, %dma_start3A_307] : memref<260x128xf32, #tpu.memory_space<hbm>> -> memref<260x128xf32, #tpu.memory_space<hbm>>
      tpu.enqueue_indirect_dma source(%dma_start3A_308 : memref<260x128xf32, #tpu.memory_space<hbm>>) target(%dma_start3A_302 : memref<50x128xf32, #tpu.memory_space<vmem>>) offsets(%dma_start3A_305 : memref<50xi32, #tpu.memory_space<vmem>>) semaphore(%arg8 : memref<!tpu.dma_semaphore, #tpu.memory_space<semaphore_mem>>)
      %mul3A_309 = arith.constant 4 : i32
      %mul3A_310 = arith.muli %add3A_293, %mul3A_309 : i32
      %add3A_311 = arith.constant 1 : i32
      %add3A_312 = arith.addi %mul3A_310, %add3A_311 : i32
      %dma_start3A_313 = arith.constant 1 : i32
      %dma_start3A_314 = arith.constant 0 : i32
      %dma_start3A_315 = arith.constant 0 : i32
      %dma_start3A_316 = tpu.memref_slice %arg6[%dma_start3A_313, %dma_start3A_314, %dma_start3A_315] : memref<4x50x128xf32, #tpu.memory_space<vmem>> -> memref<1x50x128xf32, #tpu.memory_space<vmem>>
      %dma_start3A_317 = tpu.memref_squeeze %dma_start3A_316 : memref<1x50x128xf32, #tpu.memory_space<vmem>> -> memref<50x128xf32, #tpu.memory_space<vmem>>
      %dma_start3A_318 = arith.constant 0 : i32
      %dma_start3A_319 = tpu.memref_slice %arg5[%add3A_312, %dma_start3A_318] : memref<128x50xi32, #tpu.memory_space<vmem>> -> memref<1x50xi32, #tpu.memory_space<vmem>>
      %dma_start3A_320 = tpu.memref_squeeze %dma_start3A_319 : memref<1x50xi32, #tpu.memory_space<vmem>> -> memref<50xi32, #tpu.memory_space<vmem>>
      %dma_start3A_321 = arith.constant 0 : i32
      %dma_start3A_322 = arith.constant 0 : i32
      %dma_start3A_323 = tpu.memref_slice %arg3[%dma_start3A_321, %dma_start3A_322] : memref<260x128xf32, #tpu.memory_space<hbm>> -> memref<260x128xf32, #tpu.memory_space<hbm>>
      tpu.enqueue_indirect_dma source(%dma_start3A_323 : memref<260x128xf32, #tpu.memory_space<hbm>>) target(%dma_start3A_317 : memref<50x128xf32, #tpu.memory_space<vmem>>) offsets(%dma_start3A_320 : memref<50xi32, #tpu.memory_space<vmem>>) semaphore(%arg8 : memref<!tpu.dma_semaphore, #tpu.memory_space<semaphore_mem>>)
      %mul3A_324 = arith.constant 4 : i32
      %mul3A_325 = arith.muli %add3A_293, %mul3A_324 : i32
      %add3A_326 = arith.constant 2 : i32
      %add3A_327 = arith.addi %mul3A_325, %add3A_326 : i32
      %dma_start3A_328 = arith.constant 2 : i32
      %dma_start3A_329 = arith.constant 0 : i32
      %dma_start3A_330 = arith.constant 0 : i32
      %dma_start3A_331 = tpu.memref_slice %arg6[%dma_start3A_328, %dma_start3A_329, %dma_start3A_330] : memref<4x50x128xf32, #tpu.memory_space<vmem>> -> memref<1x50x128xf32, #tpu.memory_space<vmem>>
      %dma_start3A_332 = tpu.memref_squeeze %dma_start3A_331 : memref<1x50x128xf32, #tpu.memory_space<vmem>> -> memref<50x128xf32, #tpu.memory_space<vmem>>
      %dma_start3A_333 = arith.constant 0 : i32
      %dma_start3A_334 = tpu.memref_slice %arg5[%add3A_327, %dma_start3A_333] : memref<128x50xi32, #tpu.memory_space<vmem>> -> memref<1x50xi32, #tpu.memory_space<vmem>>
      %dma_start3A_335 = tpu.memref_squeeze %dma_start3A_334 : memref<1x50xi32, #tpu.memory_space<vmem>> -> memref<50xi32, #tpu.memory_space<vmem>>
      %dma_start3A_336 = arith.constant 0 : i32
      %dma_start3A_337 = arith.constant 0 : i32
      %dma_start3A_338 = tpu.memref_slice %arg3[%dma_start3A_336, %dma_start3A_337] : memref<260x128xf32, #tpu.memory_space<hbm>> -> memref<260x128xf32, #tpu.memory_space<hbm>>
      tpu.enqueue_indirect_dma source(%dma_start3A_338 : memref<260x128xf32, #tpu.memory_space<hbm>>) target(%dma_start3A_332 : memref<50x128xf32, #tpu.memory_space<vmem>>) offsets(%dma_start3A_335 : memref<50xi32, #tpu.memory_space<vmem>>) semaphore(%arg8 : memref<!tpu.dma_semaphore, #tpu.memory_space<semaphore_mem>>)
      %mul3A_339 = arith.constant 4 : i32
      %mul3A_340 = arith.muli %add3A_293, %mul3A_339 : i32
      %add3A_341 = arith.constant 3 : i32
      %add3A_342 = arith.addi %mul3A_340, %add3A_341 : i32
      %dma_start3A_343 = arith.constant 3 : i32
      %dma_start3A_344 = arith.constant 0 : i32
      %dma_start3A_345 = arith.constant 0 : i32
      %dma_start3A_346 = tpu.memref_slice %arg6[%dma_start3A_343, %dma_start3A_344, %dma_start3A_345] : memref<4x50x128xf32, #tpu.memory_space<vmem>> -> memref<1x50x128xf32, #tpu.memory_space<vmem>>
      %dma_start3A_347 = tpu.memref_squeeze %dma_start3A_346 : memref<1x50x128xf32, #tpu.memory_space<vmem>> -> memref<50x128xf32, #tpu.memory_space<vmem>>
      %dma_start3A_348 = arith.constant 0 : i32
      %dma_start3A_349 = tpu.memref_slice %arg5[%add3A_342, %dma_start3A_348] : memref<128x50xi32, #tpu.memory_space<vmem>> -> memref<1x50xi32, #tpu.memory_space<vmem>>
      %dma_start3A_350 = tpu.memref_squeeze %dma_start3A_349 : memref<1x50xi32, #tpu.memory_space<vmem>> -> memref<50xi32, #tpu.memory_space<vmem>>
      %dma_start3A_351 = arith.constant 0 : i32
      %dma_start3A_352 = arith.constant 0 : i32
      %dma_start3A_353 = tpu.memref_slice %arg3[%dma_start3A_351, %dma_start3A_352] : memref<260x128xf32, #tpu.memory_space<hbm>> -> memref<260x128xf32, #tpu.memory_space<hbm>>
      tpu.enqueue_indirect_dma source(%dma_start3A_353 : memref<260x128xf32, #tpu.memory_space<hbm>>) target(%dma_start3A_347 : memref<50x128xf32, #tpu.memory_space<vmem>>) offsets(%dma_start3A_350 : memref<50xi32, #tpu.memory_space<vmem>>) semaphore(%arg8 : memref<!tpu.dma_semaphore, #tpu.memory_space<semaphore_mem>>)
      %mul3A_354 = arith.constant 2 : i32
      %mul3A_355 = arith.muli %scan3A_226, %mul3A_354 : i32
      %add3A_356 = arith.constant 1 : i32
      %add3A_357 = arith.addi %mul3A_355, %add3A_356 : i32
      %dma_wait3A_358 = arith.constant 0 : i32
      %dma_wait3A_359 = arith.constant 0 : i32
      %dma_wait3A_360 = arith.constant 0 : i32
      %dma_wait3A_361 = arith.constant 0 : i32
      %dma_wait3A_362 = tpu.memref_slice %arg7[%dma_wait3A_359, %dma_wait3A_360, %dma_wait3A_361] : memref<4x50x128xf32, #tpu.memory_space<vmem>> -> memref<1x50x128xf32, #tpu.memory_space<vmem>>
      %dma_wait3A_363 = tpu.memref_squeeze %dma_wait3A_362 : memref<1x50x128xf32, #tpu.memory_space<vmem>> -> memref<50x128xf32, #tpu.memory_space<vmem>>
      %dma_wait3A_364 = arith.constant 0 : i32
      %dma_wait3A_365 = tpu.memref_slice %arg5[%dma_wait3A_358, %dma_wait3A_364] : memref<128x50xi32, #tpu.memory_space<vmem>> -> memref<1x50xi32, #tpu.memory_space<vmem>>
      %dma_wait3A_366 = tpu.memref_squeeze %dma_wait3A_365 : memref<1x50xi32, #tpu.memory_space<vmem>> -> memref<50xi32, #tpu.memory_space<vmem>>
      %dma_wait3A_367 = arith.constant 0 : i32
      %dma_wait3A_368 = arith.constant 0 : i32
      %dma_wait3A_369 = tpu.memref_slice %arg3[%dma_wait3A_367, %dma_wait3A_368] : memref<260x128xf32, #tpu.memory_space<hbm>> -> memref<260x128xf32, #tpu.memory_space<hbm>>
      tpu.wait_indirect_dma semaphore(%arg9 : memref<!tpu.dma_semaphore, #tpu.memory_space<semaphore_mem>>) src(%dma_wait3A_369 : memref<260x128xf32, #tpu.memory_space<hbm>>) dst(%dma_wait3A_363 : memref<50x128xf32, #tpu.memory_space<vmem>>)
      %dma_wait3A_370 = arith.constant 0 : i32
      %dma_wait3A_371 = arith.constant 1 : i32
      %dma_wait3A_372 = arith.constant 0 : i32
      %dma_wait3A_373 = arith.constant 0 : i32
      %dma_wait3A_374 = tpu.memref_slice %arg7[%dma_wait3A_371, %dma_wait3A_372, %dma_wait3A_373] : memref<4x50x128xf32, #tpu.memory_space<vmem>> -> memref<1x50x128xf32, #tpu.memory_space<vmem>>
      %dma_wait3A_375 = tpu.memref_squeeze %dma_wait3A_374 : memref<1x50x128xf32, #tpu.memory_space<vmem>> -> memref<50x128xf32, #tpu.memory_space<vmem>>
      %dma_wait3A_376 = arith.constant 0 : i32
      %dma_wait3A_377 = tpu.memref_slice %arg5[%dma_wait3A_370, %dma_wait3A_376] : memref<128x50xi32, #tpu.memory_space<vmem>> -> memref<1x50xi32, #tpu.memory_space<vmem>>
      %dma_wait3A_378 = tpu.memref_squeeze %dma_wait3A_377 : memref<1x50xi32, #tpu.memory_space<vmem>> -> memref<50xi32, #tpu.memory_space<vmem>>
      %dma_wait3A_379 = arith.constant 0 : i32
      %dma_wait3A_380 = arith.constant 0 : i32
      %dma_wait3A_381 = tpu.memref_slice %arg3[%dma_wait3A_379, %dma_wait3A_380] : memref<260x128xf32, #tpu.memory_space<hbm>> -> memref<260x128xf32, #tpu.memory_space<hbm>>
      tpu.wait_indirect_dma semaphore(%arg9 : memref<!tpu.dma_semaphore, #tpu.memory_space<semaphore_mem>>) src(%dma_wait3A_381 : memref<260x128xf32, #tpu.memory_space<hbm>>) dst(%dma_wait3A_375 : memref<50x128xf32, #tpu.memory_space<vmem>>)
      %dma_wait3A_382 = arith.constant 0 : i32
      %dma_wait3A_383 = arith.constant 2 : i32
      %dma_wait3A_384 = arith.constant 0 : i32
      %dma_wait3A_385 = arith.constant 0 : i32
      %dma_wait3A_386 = tpu.memref_slice %arg7[%dma_wait3A_383, %dma_wait3A_384, %dma_wait3A_385] : memref<4x50x128xf32, #tpu.memory_space<vmem>> -> memref<1x50x128xf32, #tpu.memory_space<vmem>>
      %dma_wait3A_387 = tpu.memref_squeeze %dma_wait3A_386 : memref<1x50x128xf32, #tpu.memory_space<vmem>> -> memref<50x128xf32, #tpu.memory_space<vmem>>
      %dma_wait3A_388 = arith.constant 0 : i32
      %dma_wait3A_389 = tpu.memref_slice %arg5[%dma_wait3A_382, %dma_wait3A_388] : memref<128x50xi32, #tpu.memory_space<vmem>> -> memref<1x50xi32, #tpu.memory_space<vmem>>
      %dma_wait3A_390 = tpu.memref_squeeze %dma_wait3A_389 : memref<1x50xi32, #tpu.memory_space<vmem>> -> memref<50xi32, #tpu.memory_space<vmem>>
      %dma_wait3A_391 = arith.constant 0 : i32
      %dma_wait3A_392 = arith.constant 0 : i32
      %dma_wait3A_393 = tpu.memref_slice %arg3[%dma_wait3A_391, %dma_wait3A_392] : memref<260x128xf32, #tpu.memory_space<hbm>> -> memref<260x128xf32, #tpu.memory_space<hbm>>
      tpu.wait_indirect_dma semaphore(%arg9 : memref<!tpu.dma_semaphore, #tpu.memory_space<semaphore_mem>>) src(%dma_wait3A_393 : memref<260x128xf32, #tpu.memory_space<hbm>>) dst(%dma_wait3A_387 : memref<50x128xf32, #tpu.memory_space<vmem>>)
      %dma_wait3A_394 = arith.constant 0 : i32
      %dma_wait3A_395 = arith.constant 3 : i32
      %dma_wait3A_396 = arith.constant 0 : i32
      %dma_wait3A_397 = arith.constant 0 : i32
      %dma_wait3A_398 = tpu.memref_slice %arg7[%dma_wait3A_395, %dma_wait3A_396, %dma_wait3A_397] : memref<4x50x128xf32, #tpu.memory_space<vmem>> -> memref<1x50x128xf32, #tpu.memory_space<vmem>>
      %dma_wait3A_399 = tpu.memref_squeeze %dma_wait3A_398 : memref<1x50x128xf32, #tpu.memory_space<vmem>> -> memref<50x128xf32, #tpu.memory_space<vmem>>
      %dma_wait3A_400 = arith.constant 0 : i32
      %dma_wait3A_401 = tpu.memref_slice %arg5[%dma_wait3A_394, %dma_wait3A_400] : memref<128x50xi32, #tpu.memory_space<vmem>> -> memref<1x50xi32, #tpu.memory_space<vmem>>
      %dma_wait3A_402 = tpu.memref_squeeze %dma_wait3A_401 : memref<1x50xi32, #tpu.memory_space<vmem>> -> memref<50xi32, #tpu.memory_space<vmem>>
      %dma_wait3A_403 = arith.constant 0 : i32
      %dma_wait3A_404 = arith.constant 0 : i32
      %dma_wait3A_405 = tpu.memref_slice %arg3[%dma_wait3A_403, %dma_wait3A_404] : memref<260x128xf32, #tpu.memory_space<hbm>> -> memref<260x128xf32, #tpu.memory_space<hbm>>
      tpu.wait_indirect_dma semaphore(%arg9 : memref<!tpu.dma_semaphore, #tpu.memory_space<semaphore_mem>>) src(%dma_wait3A_405 : memref<260x128xf32, #tpu.memory_space<hbm>>) dst(%dma_wait3A_399 : memref<50x128xf32, #tpu.memory_space<vmem>>)
      %mul3A_406 = arith.constant 4 : i32
      %mul3A_407 = arith.muli %add3A_357, %mul3A_406 : i32
      %add3A_408 = arith.addi %mul3A_2, %mul3A_407 : i32
      %dma_start3A_409 = arith.constant 0 : i32
      %dma_start3A_410 = arith.constant 0 : i32
      %dma_start3A_411 = tpu.memref_slice %arg4[%add3A_408, %dma_start3A_409, %dma_start3A_410] : memref<4096x50x128xf32, #tpu.memory_space<hbm>> -> memref<4x50x128xf32, #tpu.memory_space<hbm>>
      %dma_start3A_412 = arith.constant 0 : i32
      %dma_start3A_413 = arith.constant 0 : i32
      %dma_start3A_414 = tpu.memref_slice %arg4[%add3A_408, %dma_start3A_412, %dma_start3A_413] : memref<4096x50x128xf32, #tpu.memory_space<hbm>> -> memref<4x50x128xf32, #tpu.memory_space<hbm>>
      tpu.enqueue_dma source(%arg7 : memref<4x50x128xf32, #tpu.memory_space<vmem>>) target(%dma_start3A_414 : memref<4x50x128xf32, #tpu.memory_space<hbm>>) target_semaphore(%arg11 : memref<!tpu.dma_semaphore, #tpu.memory_space<semaphore_mem>>)
      %dma_wait3A_415 = arith.constant 0 : i32
      %dma_wait3A_416 = arith.constant 0 : i32
      %dma_wait3A_417 = tpu.memref_slice %arg4[%mul3A_2, %dma_wait3A_415, %dma_wait3A_416] : memref<4096x50x128xf32, #tpu.memory_space<hbm>> -> memref<4x50x128xf32, #tpu.memory_space<hbm>>
      %dma_wait3A_418 = arith.constant 0 : i32
      %dma_wait3A_419 = arith.constant 0 : i32
      %dma_wait3A_420 = tpu.memref_slice %arg4[%mul3A_2, %dma_wait3A_418, %dma_wait3A_419] : memref<4096x50x128xf32, #tpu.memory_space<hbm>> -> memref<4x50x128xf32, #tpu.memory_space<hbm>>
      tpu.wait_dma2 semaphore(%arg11 : memref<!tpu.dma_semaphore, #tpu.memory_space<semaphore_mem>>) src(%arg7 : memref<4x50x128xf32, #tpu.memory_space<vmem>>) dst(%dma_wait3A_420 : memref<4x50x128xf32, #tpu.memory_space<hbm>>)
      %add3A_421 = arith.constant 2 : i32
      %add3A_422 = arith.addi %add3A_357, %add3A_421 : i32
      %mul3A_423 = arith.constant 4 : i32
      %mul3A_424 = arith.muli %add3A_422, %mul3A_423 : i32
      %add3A_425 = arith.constant 0 : i32
      %add3A_426 = arith.addi %mul3A_424, %add3A_425 : i32
      %dma_start3A_427 = arith.constant 0 : i32
      %dma_start3A_428 = arith.constant 0 : i32
      %dma_start3A_429 = arith.constant 0 : i32
      %dma_start3A_430 = tpu.memref_slice %arg7[%dma_start3A_427, %dma_start3A_428, %dma_start3A_429] : memref<4x50x128xf32, #tpu.memory_space<vmem>> -> memref<1x50x128xf32, #tpu.memory_space<vmem>>
      %dma_start3A_431 = tpu.memref_squeeze %dma_start3A_430 : memref<1x50x128xf32, #tpu.memory_space<vmem>> -> memref<50x128xf32, #tpu.memory_space<vmem>>
      %dma_start3A_432 = arith.constant 0 : i32
      %dma_start3A_433 = tpu.memref_slice %arg5[%add3A_426, %dma_start3A_432] : memref<128x50xi32, #tpu.memory_space<vmem>> -> memref<1x50xi32, #tpu.memory_space<vmem>>
      %dma_start3A_434 = tpu.memref_squeeze %dma_start3A_433 : memref<1x50xi32, #tpu.memory_space<vmem>> -> memref<50xi32, #tpu.memory_space<vmem>>
      %dma_start3A_435 = arith.constant 0 : i32
      %dma_start3A_436 = arith.constant 0 : i32
      %dma_start3A_437 = tpu.memref_slice %arg3[%dma_start3A_435, %dma_start3A_436] : memref<260x128xf32, #tpu.memory_space<hbm>> -> memref<260x128xf32, #tpu.memory_space<hbm>>
      tpu.enqueue_indirect_dma source(%dma_start3A_437 : memref<260x128xf32, #tpu.memory_space<hbm>>) target(%dma_start3A_431 : memref<50x128xf32, #tpu.memory_space<vmem>>) offsets(%dma_start3A_434 : memref<50xi32, #tpu.memory_space<vmem>>) semaphore(%arg9 : memref<!tpu.dma_semaphore, #tpu.memory_space<semaphore_mem>>)
      %mul3A_438 = arith.constant 4 : i32
      %mul3A_439 = arith.muli %add3A_422, %mul3A_438 : i32
      %add3A_440 = arith.constant 1 : i32
      %add3A_441 = arith.addi %mul3A_439, %add3A_440 : i32
      %dma_start3A_442 = arith.constant 1 : i32
      %dma_start3A_443 = arith.constant 0 : i32
      %dma_start3A_444 = arith.constant 0 : i32
      %dma_start3A_445 = tpu.memref_slice %arg7[%dma_start3A_442, %dma_start3A_443, %dma_start3A_444] : memref<4x50x128xf32, #tpu.memory_space<vmem>> -> memref<1x50x128xf32, #tpu.memory_space<vmem>>
      %dma_start3A_446 = tpu.memref_squeeze %dma_start3A_445 : memref<1x50x128xf32, #tpu.memory_space<vmem>> -> memref<50x128xf32, #tpu.memory_space<vmem>>
      %dma_start3A_447 = arith.constant 0 : i32
      %dma_start3A_448 = tpu.memref_slice %arg5[%add3A_441, %dma_start3A_447] : memref<128x50xi32, #tpu.memory_space<vmem>> -> memref<1x50xi32, #tpu.memory_space<vmem>>
      %dma_start3A_449 = tpu.memref_squeeze %dma_start3A_448 : memref<1x50xi32, #tpu.memory_space<vmem>> -> memref<50xi32, #tpu.memory_space<vmem>>
      %dma_start3A_450 = arith.constant 0 : i32
      %dma_start3A_451 = arith.constant 0 : i32
      %dma_start3A_452 = tpu.memref_slice %arg3[%dma_start3A_450, %dma_start3A_451] : memref<260x128xf32, #tpu.memory_space<hbm>> -> memref<260x128xf32, #tpu.memory_space<hbm>>
      tpu.enqueue_indirect_dma source(%dma_start3A_452 : memref<260x128xf32, #tpu.memory_space<hbm>>) target(%dma_start3A_446 : memref<50x128xf32, #tpu.memory_space<vmem>>) offsets(%dma_start3A_449 : memref<50xi32, #tpu.memory_space<vmem>>) semaphore(%arg9 : memref<!tpu.dma_semaphore, #tpu.memory_space<semaphore_mem>>)
      %mul3A_453 = arith.constant 4 : i32
      %mul3A_454 = arith.muli %add3A_422, %mul3A_453 : i32
      %add3A_455 = arith.constant 2 : i32
      %add3A_456 = arith.addi %mul3A_454, %add3A_455 : i32
      %dma_start3A_457 = arith.constant 2 : i32
      %dma_start3A_458 = arith.constant 0 : i32
      %dma_start3A_459 = arith.constant 0 : i32
      %dma_start3A_460 = tpu.memref_slice %arg7[%dma_start3A_457, %dma_start3A_458, %dma_start3A_459] : memref<4x50x128xf32, #tpu.memory_space<vmem>> -> memref<1x50x128xf32, #tpu.memory_space<vmem>>
      %dma_start3A_461 = tpu.memref_squeeze %dma_start3A_460 : memref<1x50x128xf32, #tpu.memory_space<vmem>> -> memref<50x128xf32, #tpu.memory_space<vmem>>
      %dma_start3A_462 = arith.constant 0 : i32
      %dma_start3A_463 = tpu.memref_slice %arg5[%add3A_456, %dma_start3A_462] : memref<128x50xi32, #tpu.memory_space<vmem>> -> memref<1x50xi32, #tpu.memory_space<vmem>>
      %dma_start3A_464 = tpu.memref_squeeze %dma_start3A_463 : memref<1x50xi32, #tpu.memory_space<vmem>> -> memref<50xi32, #tpu.memory_space<vmem>>
      %dma_start3A_465 = arith.constant 0 : i32
      %dma_start3A_466 = arith.constant 0 : i32
      %dma_start3A_467 = tpu.memref_slice %arg3[%dma_start3A_465, %dma_start3A_466] : memref<260x128xf32, #tpu.memory_space<hbm>> -> memref<260x128xf32, #tpu.memory_space<hbm>>
      tpu.enqueue_indirect_dma source(%dma_start3A_467 : memref<260x128xf32, #tpu.memory_space<hbm>>) target(%dma_start3A_461 : memref<50x128xf32, #tpu.memory_space<vmem>>) offsets(%dma_start3A_464 : memref<50xi32, #tpu.memory_space<vmem>>) semaphore(%arg9 : memref<!tpu.dma_semaphore, #tpu.memory_space<semaphore_mem>>)
      %mul3A_468 = arith.constant 4 : i32
      %mul3A_469 = arith.muli %add3A_422, %mul3A_468 : i32
      %add3A_470 = arith.constant 3 : i32
      %add3A_471 = arith.addi %mul3A_469, %add3A_470 : i32
      %dma_start3A_472 = arith.constant 3 : i32
      %dma_start3A_473 = arith.constant 0 : i32
      %dma_start3A_474 = arith.constant 0 : i32
      %dma_start3A_475 = tpu.memref_slice %arg7[%dma_start3A_472, %dma_start3A_473, %dma_start3A_474] : memref<4x50x128xf32, #tpu.memory_space<vmem>> -> memref<1x50x128xf32, #tpu.memory_space<vmem>>
      %dma_start3A_476 = tpu.memref_squeeze %dma_start3A_475 : memref<1x50x128xf32, #tpu.memory_space<vmem>> -> memref<50x128xf32, #tpu.memory_space<vmem>>
      %dma_start3A_477 = arith.constant 0 : i32
      %dma_start3A_478 = tpu.memref_slice %arg5[%add3A_471, %dma_start3A_477] : memref<128x50xi32, #tpu.memory_space<vmem>> -> memref<1x50xi32, #tpu.memory_space<vmem>>
      %dma_start3A_479 = tpu.memref_squeeze %dma_start3A_478 : memref<1x50xi32, #tpu.memory_space<vmem>> -> memref<50xi32, #tpu.memory_space<vmem>>
      %dma_start3A_480 = arith.constant 0 : i32
      %dma_start3A_481 = arith.constant 0 : i32
      %dma_start3A_482 = tpu.memref_slice %arg3[%dma_start3A_480, %dma_start3A_481] : memref<260x128xf32, #tpu.memory_space<hbm>> -> memref<260x128xf32, #tpu.memory_space<hbm>>
      tpu.enqueue_indirect_dma source(%dma_start3A_482 : memref<260x128xf32, #tpu.memory_space<hbm>>) target(%dma_start3A_476 : memref<50x128xf32, #tpu.memory_space<vmem>>) offsets(%dma_start3A_479 : memref<50xi32, #tpu.memory_space<vmem>>) semaphore(%arg9 : memref<!tpu.dma_semaphore, #tpu.memory_space<semaphore_mem>>)
    }
    %scan3A_102 = arith.constant 15 : i32
    %dma_wait3A = arith.constant 0 : i32
    %dma_wait3A_103 = arith.constant 0 : i32
    %dma_wait3A_104 = arith.constant 0 : i32
    %dma_wait3A_105 = arith.constant 0 : i32
    %dma_wait3A_106 = tpu.memref_slice %arg6[%dma_wait3A_103, %dma_wait3A_104, %dma_wait3A_105] : memref<4x50x128xf32, #tpu.memory_space<vmem>> -> memref<1x50x128xf32, #tpu.memory_space<vmem>>
    %dma_wait3A_107 = tpu.memref_squeeze %dma_wait3A_106 : memref<1x50x128xf32, #tpu.memory_space<vmem>> -> memref<50x128xf32, #tpu.memory_space<vmem>>
    %dma_wait3A_108 = arith.constant 0 : i32
    %dma_wait3A_109 = tpu.memref_slice %arg5[%dma_wait3A, %dma_wait3A_108] : memref<128x50xi32, #tpu.memory_space<vmem>> -> memref<1x50xi32, #tpu.memory_space<vmem>>
    %dma_wait3A_110 = tpu.memref_squeeze %dma_wait3A_109 : memref<1x50xi32, #tpu.memory_space<vmem>> -> memref<50xi32, #tpu.memory_space<vmem>>
    %dma_wait3A_111 = arith.constant 0 : i32
    %dma_wait3A_112 = arith.constant 0 : i32
    %dma_wait3A_113 = tpu.memref_slice %arg3[%dma_wait3A_111, %dma_wait3A_112] : memref<260x128xf32, #tpu.memory_space<hbm>> -> memref<260x128xf32, #tpu.memory_space<hbm>>
    tpu.wait_indirect_dma semaphore(%arg8 : memref<!tpu.dma_semaphore, #tpu.memory_space<semaphore_mem>>) src(%dma_wait3A_113 : memref<260x128xf32, #tpu.memory_space<hbm>>) dst(%dma_wait3A_107 : memref<50x128xf32, #tpu.memory_space<vmem>>)
    %dma_wait3A_114 = arith.constant 0 : i32
    %dma_wait3A_115 = arith.constant 1 : i32
    %dma_wait3A_116 = arith.constant 0 : i32
    %dma_wait3A_117 = arith.constant 0 : i32
    %dma_wait3A_118 = tpu.memref_slice %arg6[%dma_wait3A_115, %dma_wait3A_116, %dma_wait3A_117] : memref<4x50x128xf32, #tpu.memory_space<vmem>> -> memref<1x50x128xf32, #tpu.memory_space<vmem>>
    %dma_wait3A_119 = tpu.memref_squeeze %dma_wait3A_118 : memref<1x50x128xf32, #tpu.memory_space<vmem>> -> memref<50x128xf32, #tpu.memory_space<vmem>>
    %dma_wait3A_120 = arith.constant 0 : i32
    %dma_wait3A_121 = tpu.memref_slice %arg5[%dma_wait3A_114, %dma_wait3A_120] : memref<128x50xi32, #tpu.memory_space<vmem>> -> memref<1x50xi32, #tpu.memory_space<vmem>>
    %dma_wait3A_122 = tpu.memref_squeeze %dma_wait3A_121 : memref<1x50xi32, #tpu.memory_space<vmem>> -> memref<50xi32, #tpu.memory_space<vmem>>
    %dma_wait3A_123 = arith.constant 0 : i32
    %dma_wait3A_124 = arith.constant 0 : i32
    %dma_wait3A_125 = tpu.memref_slice %arg3[%dma_wait3A_123, %dma_wait3A_124] : memref<260x128xf32, #tpu.memory_space<hbm>> -> memref<260x128xf32, #tpu.memory_space<hbm>>
    tpu.wait_indirect_dma semaphore(%arg8 : memref<!tpu.dma_semaphore, #tpu.memory_space<semaphore_mem>>) src(%dma_wait3A_125 : memref<260x128xf32, #tpu.memory_space<hbm>>) dst(%dma_wait3A_119 : memref<50x128xf32, #tpu.memory_space<vmem>>)
    %dma_wait3A_126 = arith.constant 0 : i32
    %dma_wait3A_127 = arith.constant 2 : i32
    %dma_wait3A_128 = arith.constant 0 : i32
    %dma_wait3A_129 = arith.constant 0 : i32
    %dma_wait3A_130 = tpu.memref_slice %arg6[%dma_wait3A_127, %dma_wait3A_128, %dma_wait3A_129] : memref<4x50x128xf32, #tpu.memory_space<vmem>> -> memref<1x50x128xf32, #tpu.memory_space<vmem>>
    %dma_wait3A_131 = tpu.memref_squeeze %dma_wait3A_130 : memref<1x50x128xf32, #tpu.memory_space<vmem>> -> memref<50x128xf32, #tpu.memory_space<vmem>>
    %dma_wait3A_132 = arith.constant 0 : i32
    %dma_wait3A_133 = tpu.memref_slice %arg5[%dma_wait3A_126, %dma_wait3A_132] : memref<128x50xi32, #tpu.memory_space<vmem>> -> memref<1x50xi32, #tpu.memory_space<vmem>>
    %dma_wait3A_134 = tpu.memref_squeeze %dma_wait3A_133 : memref<1x50xi32, #tpu.memory_space<vmem>> -> memref<50xi32, #tpu.memory_space<vmem>>
    %dma_wait3A_135 = arith.constant 0 : i32
    %dma_wait3A_136 = arith.constant 0 : i32
    %dma_wait3A_137 = tpu.memref_slice %arg3[%dma_wait3A_135, %dma_wait3A_136] : memref<260x128xf32, #tpu.memory_space<hbm>> -> memref<260x128xf32, #tpu.memory_space<hbm>>
    tpu.wait_indirect_dma semaphore(%arg8 : memref<!tpu.dma_semaphore, #tpu.memory_space<semaphore_mem>>) src(%dma_wait3A_137 : memref<260x128xf32, #tpu.memory_space<hbm>>) dst(%dma_wait3A_131 : memref<50x128xf32, #tpu.memory_space<vmem>>)
    %dma_wait3A_138 = arith.constant 0 : i32
    %dma_wait3A_139 = arith.constant 3 : i32
    %dma_wait3A_140 = arith.constant 0 : i32
    %dma_wait3A_141 = arith.constant 0 : i32
    %dma_wait3A_142 = tpu.memref_slice %arg6[%dma_wait3A_139, %dma_wait3A_140, %dma_wait3A_141] : memref<4x50x128xf32, #tpu.memory_space<vmem>> -> memref<1x50x128xf32, #tpu.memory_space<vmem>>
    %dma_wait3A_143 = tpu.memref_squeeze %dma_wait3A_142 : memref<1x50x128xf32, #tpu.memory_space<vmem>> -> memref<50x128xf32, #tpu.memory_space<vmem>>
    %dma_wait3A_144 = arith.constant 0 : i32
    %dma_wait3A_145 = tpu.memref_slice %arg5[%dma_wait3A_138, %dma_wait3A_144] : memref<128x50xi32, #tpu.memory_space<vmem>> -> memref<1x50xi32, #tpu.memory_space<vmem>>
    %dma_wait3A_146 = tpu.memref_squeeze %dma_wait3A_145 : memref<1x50xi32, #tpu.memory_space<vmem>> -> memref<50xi32, #tpu.memory_space<vmem>>
    %dma_wait3A_147 = arith.constant 0 : i32
    %dma_wait3A_148 = arith.constant 0 : i32
    %dma_wait3A_149 = tpu.memref_slice %arg3[%dma_wait3A_147, %dma_wait3A_148] : memref<260x128xf32, #tpu.memory_space<hbm>> -> memref<260x128xf32, #tpu.memory_space<hbm>>
    tpu.wait_indirect_dma semaphore(%arg8 : memref<!tpu.dma_semaphore, #tpu.memory_space<semaphore_mem>>) src(%dma_wait3A_149 : memref<260x128xf32, #tpu.memory_space<hbm>>) dst(%dma_wait3A_143 : memref<50x128xf32, #tpu.memory_space<vmem>>)
    %add3A_150 = arith.constant 120 : i32
    %add3A_151 = arith.addi %mul3A_2, %add3A_150 : i32
    %dma_start3A_152 = arith.constant 0 : i32
    %dma_start3A_153 = arith.constant 0 : i32
    %dma_start3A_154 = tpu.memref_slice %arg4[%add3A_151, %dma_start3A_152, %dma_start3A_153] : memref<4096x50x128xf32, #tpu.memory_space<hbm>> -> memref<4x50x128xf32, #tpu.memory_space<hbm>>
    %dma_start3A_155 = arith.constant 0 : i32
    %dma_start3A_156 = arith.constant 0 : i32
    %dma_start3A_157 = tpu.memref_slice %arg4[%add3A_151, %dma_start3A_155, %dma_start3A_156] : memref<4096x50x128xf32, #tpu.memory_space<hbm>> -> memref<4x50x128xf32, #tpu.memory_space<hbm>>
    tpu.enqueue_dma source(%arg6 : memref<4x50x128xf32, #tpu.memory_space<vmem>>) target(%dma_start3A_157 : memref<4x50x128xf32, #tpu.memory_space<hbm>>) target_semaphore(%arg10 : memref<!tpu.dma_semaphore, #tpu.memory_space<semaphore_mem>>)
    %dma_wait3A_158 = arith.constant 0 : i32
    %dma_wait3A_159 = arith.constant 0 : i32
    %dma_wait3A_160 = tpu.memref_slice %arg4[%mul3A_2, %dma_wait3A_158, %dma_wait3A_159] : memref<4096x50x128xf32, #tpu.memory_space<hbm>> -> memref<4x50x128xf32, #tpu.memory_space<hbm>>
    %dma_wait3A_161 = arith.constant 0 : i32
    %dma_wait3A_162 = arith.constant 0 : i32
    %dma_wait3A_163 = tpu.memref_slice %arg4[%mul3A_2, %dma_wait3A_161, %dma_wait3A_162] : memref<4096x50x128xf32, #tpu.memory_space<hbm>> -> memref<4x50x128xf32, #tpu.memory_space<hbm>>
    tpu.wait_dma2 semaphore(%arg10 : memref<!tpu.dma_semaphore, #tpu.memory_space<semaphore_mem>>) src(%arg6 : memref<4x50x128xf32, #tpu.memory_space<vmem>>) dst(%dma_wait3A_163 : memref<4x50x128xf32, #tpu.memory_space<hbm>>)
    %dma_wait3A_164 = arith.constant 0 : i32
    %dma_wait3A_165 = arith.constant 0 : i32
    %dma_wait3A_166 = arith.constant 0 : i32
    %dma_wait3A_167 = arith.constant 0 : i32
    %dma_wait3A_168 = tpu.memref_slice %arg7[%dma_wait3A_165, %dma_wait3A_166, %dma_wait3A_167] : memref<4x50x128xf32, #tpu.memory_space<vmem>> -> memref<1x50x128xf32, #tpu.memory_space<vmem>>
    %dma_wait3A_169 = tpu.memref_squeeze %dma_wait3A_168 : memref<1x50x128xf32, #tpu.memory_space<vmem>> -> memref<50x128xf32, #tpu.memory_space<vmem>>
    %dma_wait3A_170 = arith.constant 0 : i32
    %dma_wait3A_171 = tpu.memref_slice %arg5[%dma_wait3A_164, %dma_wait3A_170] : memref<128x50xi32, #tpu.memory_space<vmem>> -> memref<1x50xi32, #tpu.memory_space<vmem>>
    %dma_wait3A_172 = tpu.memref_squeeze %dma_wait3A_171 : memref<1x50xi32, #tpu.memory_space<vmem>> -> memref<50xi32, #tpu.memory_space<vmem>>
    %dma_wait3A_173 = arith.constant 0 : i32
    %dma_wait3A_174 = arith.constant 0 : i32
    %dma_wait3A_175 = tpu.memref_slice %arg3[%dma_wait3A_173, %dma_wait3A_174] : memref<260x128xf32, #tpu.memory_space<hbm>> -> memref<260x128xf32, #tpu.memory_space<hbm>>
    tpu.wait_indirect_dma semaphore(%arg9 : memref<!tpu.dma_semaphore, #tpu.memory_space<semaphore_mem>>) src(%dma_wait3A_175 : memref<260x128xf32, #tpu.memory_space<hbm>>) dst(%dma_wait3A_169 : memref<50x128xf32, #tpu.memory_space<vmem>>)
    %dma_wait3A_176 = arith.constant 0 : i32
    %dma_wait3A_177 = arith.constant 1 : i32
    %dma_wait3A_178 = arith.constant 0 : i32
    %dma_wait3A_179 = arith.constant 0 : i32
    %dma_wait3A_180 = tpu.memref_slice %arg7[%dma_wait3A_177, %dma_wait3A_178, %dma_wait3A_179] : memref<4x50x128xf32, #tpu.memory_space<vmem>> -> memref<1x50x128xf32, #tpu.memory_space<vmem>>
    %dma_wait3A_181 = tpu.memref_squeeze %dma_wait3A_180 : memref<1x50x128xf32, #tpu.memory_space<vmem>> -> memref<50x128xf32, #tpu.memory_space<vmem>>
    %dma_wait3A_182 = arith.constant 0 : i32
    %dma_wait3A_183 = tpu.memref_slice %arg5[%dma_wait3A_176, %dma_wait3A_182] : memref<128x50xi32, #tpu.memory_space<vmem>> -> memref<1x50xi32, #tpu.memory_space<vmem>>
    %dma_wait3A_184 = tpu.memref_squeeze %dma_wait3A_183 : memref<1x50xi32, #tpu.memory_space<vmem>> -> memref<50xi32, #tpu.memory_space<vmem>>
    %dma_wait3A_185 = arith.constant 0 : i32
    %dma_wait3A_186 = arith.constant 0 : i32
    %dma_wait3A_187 = tpu.memref_slice %arg3[%dma_wait3A_185, %dma_wait3A_186] : memref<260x128xf32, #tpu.memory_space<hbm>> -> memref<260x128xf32, #tpu.memory_space<hbm>>
    tpu.wait_indirect_dma semaphore(%arg9 : memref<!tpu.dma_semaphore, #tpu.memory_space<semaphore_mem>>) src(%dma_wait3A_187 : memref<260x128xf32, #tpu.memory_space<hbm>>) dst(%dma_wait3A_181 : memref<50x128xf32, #tpu.memory_space<vmem>>)
    %dma_wait3A_188 = arith.constant 0 : i32
    %dma_wait3A_189 = arith.constant 2 : i32
    %dma_wait3A_190 = arith.constant 0 : i32
    %dma_wait3A_191 = arith.constant 0 : i32
    %dma_wait3A_192 = tpu.memref_slice %arg7[%dma_wait3A_189, %dma_wait3A_190, %dma_wait3A_191] : memref<4x50x128xf32, #tpu.memory_space<vmem>> -> memref<1x50x128xf32, #tpu.memory_space<vmem>>
    %dma_wait3A_193 = tpu.memref_squeeze %dma_wait3A_192 : memref<1x50x128xf32, #tpu.memory_space<vmem>> -> memref<50x128xf32, #tpu.memory_space<vmem>>
    %dma_wait3A_194 = arith.constant 0 : i32
    %dma_wait3A_195 = tpu.memref_slice %arg5[%dma_wait3A_188, %dma_wait3A_194] : memref<128x50xi32, #tpu.memory_space<vmem>> -> memref<1x50xi32, #tpu.memory_space<vmem>>
    %dma_wait3A_196 = tpu.memref_squeeze %dma_wait3A_195 : memref<1x50xi32, #tpu.memory_space<vmem>> -> memref<50xi32, #tpu.memory_space<vmem>>
    %dma_wait3A_197 = arith.constant 0 : i32
    %dma_wait3A_198 = arith.constant 0 : i32
    %dma_wait3A_199 = tpu.memref_slice %arg3[%dma_wait3A_197, %dma_wait3A_198] : memref<260x128xf32, #tpu.memory_space<hbm>> -> memref<260x128xf32, #tpu.memory_space<hbm>>
    tpu.wait_indirect_dma semaphore(%arg9 : memref<!tpu.dma_semaphore, #tpu.memory_space<semaphore_mem>>) src(%dma_wait3A_199 : memref<260x128xf32, #tpu.memory_space<hbm>>) dst(%dma_wait3A_193 : memref<50x128xf32, #tpu.memory_space<vmem>>)
    %dma_wait3A_200 = arith.constant 0 : i32
    %dma_wait3A_201 = arith.constant 3 : i32
    %dma_wait3A_202 = arith.constant 0 : i32
    %dma_wait3A_203 = arith.constant 0 : i32
    %dma_wait3A_204 = tpu.memref_slice %arg7[%dma_wait3A_201, %dma_wait3A_202, %dma_wait3A_203] : memref<4x50x128xf32, #tpu.memory_space<vmem>> -> memref<1x50x128xf32, #tpu.memory_space<vmem>>
    %dma_wait3A_205 = tpu.memref_squeeze %dma_wait3A_204 : memref<1x50x128xf32, #tpu.memory_space<vmem>> -> memref<50x128xf32, #tpu.memory_space<vmem>>
    %dma_wait3A_206 = arith.constant 0 : i32
    %dma_wait3A_207 = tpu.memref_slice %arg5[%dma_wait3A_200, %dma_wait3A_206] : memref<128x50xi32, #tpu.memory_space<vmem>> -> memref<1x50xi32, #tpu.memory_space<vmem>>
    %dma_wait3A_208 = tpu.memref_squeeze %dma_wait3A_207 : memref<1x50xi32, #tpu.memory_space<vmem>> -> memref<50xi32, #tpu.memory_space<vmem>>
    %dma_wait3A_209 = arith.constant 0 : i32
    %dma_wait3A_210 = arith.constant 0 : i32
    %dma_wait3A_211 = tpu.memref_slice %arg3[%dma_wait3A_209, %dma_wait3A_210] : memref<260x128xf32, #tpu.memory_space<hbm>> -> memref<260x128xf32, #tpu.memory_space<hbm>>
    tpu.wait_indirect_dma semaphore(%arg9 : memref<!tpu.dma_semaphore, #tpu.memory_space<semaphore_mem>>) src(%dma_wait3A_211 : memref<260x128xf32, #tpu.memory_space<hbm>>) dst(%dma_wait3A_205 : memref<50x128xf32, #tpu.memory_space<vmem>>)
    %add3A_212 = arith.constant 124 : i32
    %add3A_213 = arith.addi %mul3A_2, %add3A_212 : i32
    %dma_start3A_214 = arith.constant 0 : i32
    %dma_start3A_215 = arith.constant 0 : i32
    %dma_start3A_216 = tpu.memref_slice %arg4[%add3A_213, %dma_start3A_214, %dma_start3A_215] : memref<4096x50x128xf32, #tpu.memory_space<hbm>> -> memref<4x50x128xf32, #tpu.memory_space<hbm>>
    %dma_start3A_217 = arith.constant 0 : i32
    %dma_start3A_218 = arith.constant 0 : i32
    %dma_start3A_219 = tpu.memref_slice %arg4[%add3A_213, %dma_start3A_217, %dma_start3A_218] : memref<4096x50x128xf32, #tpu.memory_space<hbm>> -> memref<4x50x128xf32, #tpu.memory_space<hbm>>
    tpu.enqueue_dma source(%arg7 : memref<4x50x128xf32, #tpu.memory_space<vmem>>) target(%dma_start3A_219 : memref<4x50x128xf32, #tpu.memory_space<hbm>>) target_semaphore(%arg11 : memref<!tpu.dma_semaphore, #tpu.memory_space<semaphore_mem>>)
    %dma_wait3A_220 = arith.constant 0 : i32
    %dma_wait3A_221 = arith.constant 0 : i32
    %dma_wait3A_222 = tpu.memref_slice %arg4[%mul3A_2, %dma_wait3A_220, %dma_wait3A_221] : memref<4096x50x128xf32, #tpu.memory_space<hbm>> -> memref<4x50x128xf32, #tpu.memory_space<hbm>>
    %dma_wait3A_223 = arith.constant 0 : i32
    %dma_wait3A_224 = arith.constant 0 : i32
    %dma_wait3A_225 = tpu.memref_slice %arg4[%mul3A_2, %dma_wait3A_223, %dma_wait3A_224] : memref<4096x50x128xf32, #tpu.memory_space<hbm>> -> memref<4x50x128xf32, #tpu.memory_space<hbm>>
    tpu.wait_dma2 semaphore(%arg11 : memref<!tpu.dma_semaphore, #tpu.memory_space<semaphore_mem>>) src(%arg7 : memref<4x50x128xf32, #tpu.memory_space<vmem>>) dst(%dma_wait3A_225 : memref<4x50x128xf32, #tpu.memory_space<hbm>>)
    return
  }
}

module attributes {stable_mosaic.version = 14 : i64} {
  func.func @_comb_body(%arg0: memref<13x128xf32, #tpu.memory_space<vmem>>, %arg1: memref<20x128xf32, #tpu.memory_space<vmem>>, %arg2: memref<13x20x128xf32, #tpu.memory_space<vmem>>) attributes {dimension_semantics = [], scalar_prefetch = 0 : i64, scratch_operands = 0 : i64, tpu.core_type = #tpu.core_type<tc>} {
    %get3A = arith.constant 0 : index
    %get3A_0 = arith.constant 0 : index
    %get3A_1 = vector.load %arg0[%get3A, %get3A_0] : memref<13x128xf32, #tpu.memory_space<vmem>>, vector<13x128xf32>
    %broadcast_in_dim3A = vector.shape_cast %get3A_1 : vector<13x128xf32> to vector<13x1x128xf32>
    %get3A_2 = arith.constant 0 : index
    %get3A_3 = arith.constant 0 : index
    %get3A_4 = vector.load %arg1[%get3A_2, %get3A_3] : memref<20x128xf32, #tpu.memory_space<vmem>>, vector<20x128xf32>
    %broadcast_in_dim3A_5 = vector.shape_cast %get3A_4 : vector<20x128xf32> to vector<1x20x128xf32>
    %add3A = vector.broadcast %broadcast_in_dim3A : vector<13x1x128xf32> to vector<13x20x128xf32>
    %add3A_6 = vector.broadcast %broadcast_in_dim3A_5 : vector<1x20x128xf32> to vector<13x20x128xf32>
    %add3A_7 = arith.addf %add3A, %add3A_6 : vector<13x20x128xf32>
    %swap3A = arith.constant 0 : index
    %swap3A_8 = arith.constant 0 : index
    %swap3A_9 = arith.constant 0 : index
    %swap3A_10 = vector.load %arg2[%swap3A, %swap3A_8, %swap3A_9] : memref<13x20x128xf32, #tpu.memory_space<vmem>>, vector<13x20x128xf32>
    tpu.vector_store %arg2[%swap3A, %swap3A_8, %swap3A_9], %add3A_7 {strides = array<i32>} : memref<13x20x128xf32, #tpu.memory_space<vmem>>, vector<13x20x128xf32>,
    return
  }
}

module attributes {stable_mosaic.version = 14 : i64} {
  func.func @_cidx_body(%arg0: i32, %arg1: memref<128x100xi32, #tpu.memory_space<vmem>>, %arg2: memref<100x50xf32, #tpu.memory_space<vmem>>, %arg3: memref<128x50xi32, #tpu.memory_space<vmem>>) attributes {dimension_semantics = [#tpu.dimension_semantics<arbitrary>], iteration_bounds = array<i64: 32>, scalar_prefetch = 0 : i64, scratch_operands = 0 : i64, tpu.core_type = #tpu.core_type<tc>, window_params = [{transform_indices = @transform_0, window_bounds = array<i64: 128, 100>}, {pipeline_mode = #tpu.pipeline_mode<synchronous>, transform_indices = @transform_1, window_bounds = array<i64: 100, 50>}, {transform_indices = @transform_2, window_bounds = array<i64: 128, 50>}]} {
    %get3A = arith.constant 0 : index
    %get3A_0 = arith.constant 0 : index
    %get3A_1 = vector.load %arg1[%get3A, %get3A_0] : memref<128x100xi32, #tpu.memory_space<vmem>>, vector<128x100xi32>
    %convert_element_type3A = arith.sitofp %get3A_1 : vector<128x100xi32> to vector<128x100xf32>
    %get3A_2 = arith.constant 0 : index
    %get3A_3 = arith.constant 0 : index
    %get3A_4 = vector.load %arg2[%get3A_2, %get3A_3] : memref<100x50xf32, #tpu.memory_space<vmem>>, vector<100x50xf32>
    %dot_general3A = arith.constant dense<0.000000e+00> : vector<128x50xf32>
    %dot_general3A_5 = tpu.matmul %convert_element_type3A, %get3A_4, %dot_general3A {dimension_numbers = #tpu.dot_dimension_numbers<[1], [0], [0], [1], [0, 0, 1, 1], [], []>, transpose_lhs_hint = false} : vector<128x100xf32>, vector<100x50xf32>, vector<128x50xf32> -> vector<128x50xf32>
    %convert_element_type3A_6 = arith.fptosi %dot_general3A_5 : vector<128x50xf32> to vector<128x50xi32>
    %swap3A = arith.constant 0 : index
    %swap3A_7 = arith.constant 0 : index
    %swap3A_8 = vector.load %arg3[%swap3A, %swap3A_7] : memref<128x50xi32, #tpu.memory_space<vmem>>, vector<128x50xi32>
    tpu.vector_store %arg3[%swap3A, %swap3A_7], %convert_element_type3A_6 {strides = array<i32>} : memref<128x50xi32, #tpu.memory_space<vmem>>, vector<128x50xi32>,
    return
  }
  func.func @transform_0(%arg0: i32) -> (i32, i32) {
    %c0_i32 = arith.constant 0 : i32
    %c0_i32_0 = arith.constant 0 : i32
    return %arg0, %c0_i32 : i32, i32
  }
  func.func @transform_1(%arg0: i32) -> (i32, i32) {
    %c0_i32 = arith.constant 0 : i32
    %c0_i32_0 = arith.constant 0 : i32
    %c0_i32_1 = arith.constant 0 : i32
    return %c0_i32, %c0_i32_0 : i32, i32
  }
  func.func @transform_2(%arg0: i32) -> (i32, i32) {
    %c0_i32 = arith.constant 0 : i32
    %c0_i32_0 = arith.constant 0 : i32
    return %arg0, %c0_i32 : i32, i32
  }
}

</mosaic_0001>

<sc_bundles>
// kernel: kernel.5.cloned.1.call-start
scs
__scs_entry_jumppad:
0x0: {  	(pc) =	sbr.rel $0x88, $3  }
0x1: {  	(tag) =	ssettag $0x0;
	lr =	simm.s32 $0x1  }
0x2: {  	[smem:$0x3F9E] =	sst lr;
	_ =	strace $0xD0000000  }
0x3: {  	_ = 	snop  }
0x4: {  	_ = 	snop  }
0x5: {  	_ = 	snop  }
0x6: {  	_ = 	snop  }
0x7: {  	_ = 	snop  }
__scs_overlays_trampoline_lowered:
0x8: {  	[smem:$0x3FAD] =	sst s0  }
0x9: {  	[smem:$0x3FAE] =	sst s1  }
0xa: {  	[smem:$0x3FAF] =	sst s2  }
0xb: {  	[smem:$0x3FB0] =	sst s3  }
0xc: {  	[smem:$0x3FB1] =	sst s4  }
0xd: {  	[smem:$0x3FB2] =	sst s5  }
0xe: {  	[smem:$0x3FB3] =	sst s6  }
0xf: {  	[smem:$0x3FB4] =	sst s7  }
0x10: {  	[smem:$0x3FB5] =	sst s8  }
0x11: {  	[smem:$0x3FB6] =	sst s9;
	s0 =	simm.s32 @!p0 $0x0  }
0x12: {  	s1 =	sld [smem:$0x3F9C];
	s0 =	simm.s32 @p0 $0x1  }
0x13: {  	[smem:$0x3FB7] =	sst s0;
	s0 =	simm.s32 @!p1 $0x0  }
0x14: {  	s2 =	sld [smem:$0x3F9B];
	s0 =	simm.s32 @p1 $0x1  }
0x15: {  	[smem:$0x3FB8] =	sst s0;
	s0 =	simm.s32 @!p2 $0x0  }
0x16: {  	s3 =	sld [smem:$0x3FDB];
	s0 =	simm.s32 @p2 $0x1  }
0x17: {  	s4 =	simm.s32 $0x1BF5;
	[smem:$0x3FBA] =	sst s0  }
0x18: {  	s0 =	sld [smem:$0x3F9D];
	_ =	swait.ge [sflag:s4], $0x0  }
0x19: {  	s7 =	sld [smem:$0x3F9E]  }
0x1a: {  	s8 =	sadd.s32 $0xFFFFE003, lr  }
0x1b: {  	s9 =	sadd.s32 $0xFFFFFEF7, lr;
	s5 =	simm.s32 $0xFFFFFFFF;
	p2 =	slt.u32 s8, $0xFFFFF086  }
0x1c: {  	p1 =	slt.u32 s9, $0xF7A;
	s5 =	simm.s32 @!p2 $0x0  }
0x1d: {  	s5 =	simm.s32 @p1 $0x1;
	p0 =	seq.s32 s7, s2  }
0x1e: {  	s7 =	smul.u32 @!p0 $0xF7A, s2;
	p2 =	seq.s32 @!p0 s5, $0x0  }
0x1f: {  	s9 =	smul.u32 $0xF7A, s1;
	s8 =	simm.s32 @!p0 $0x1BF5;
	p2 =	por !p2, p0  }
0x20: {  	[sflag:s8] =	ssyncset.s32 @!p0 $0xFFFFF086;
	s6 =	sadd.s32 @!p0 s3, s7;
	s7 =	simm.s32 @!p0 $0x108  }
0x21: {  	s3 =	sadd.s32 s3, s9;
	s6 =	sadd.s32 @!p0 $0x88, s6;
	s7 =	simm.s32 @p2 $0x1082  }
0x22: {  	[simem:s7], [sflag:s8] =	dma.local @!p0 [hbm:s6], $0xF7A  }
0x23: {  	s9 =	sor.u32 $0xD0000000, s2;
	s6 =	simm.s32 $0x108;
	_ =	swait.ge @!p0 [sflag:s8], $0x0  }
0x24: {  	s3 =	sadd.s32 $0x88, s3;
	s6 =	simm.s32 @!p1 $0x1082;
	[sflag:s4] =	ssyncset.s32 $0xFFFFF086  }
0x25: {  	[simem:s6], [sflag:s4] =	dma.local [hbm:s3], $0xF7A  }
0x26: {  	[smem:$0x3F9E] =	sst s1;
	(tag) =	ssettag s2;
	_ =	strace s9  }
0x27: {  	s1 =	sld [smem:$0x3FAE]  }
0x28: {  	s2 =	sld [smem:$0x3FAF]  }
0x29: {  	s4 =	sld [smem:$0x3FB1]  }
0x2a: {  	p0 =	seq.s32 s5, $0x0;
	s5 =	sld [smem:$0x3FB2]  }
0x2b: {  	s6 =	sld [smem:$0x3FB3]  }
0x2c: {  	s7 =	sld [smem:$0x3FB4]  }
0x2d: {  	s3 =	simm.s32 $0x108;
	s8 =	sld [smem:$0x3FB5]  }
0x2e: {  	s3 =	simm.s32 @!p0 $0x1082;
	s9 =	sld [smem:$0x3FB6]  }
0x2f: {  	lr =	sadd.s32 s0, s3;
	s0 =	sld [smem:$0x3FAD]  }
0x30: {  	s3 =	sld [smem:$0x3FB0]  }
0x31: {  	[smem:$0x3FB9] =	sst s10  }
0x32: {  	s10 =	sld [smem:$0x3FB7];
	_ =	sdelay $0x3  }
0x33: {  	p0 =	seq.s32 s10, $0x1;
	s10 =	sld [smem:$0x3FB9];
	_ =	sdelay $0x3  }
0x34: {  	[smem:$0x3FB9] =	sst s10  }
0x35: {  	s10 =	sld [smem:$0x3FB8];
	_ =	sdelay $0x3  }
0x36: {  	p1 =	seq.s32 s10, $0x1;
	s10 =	sld [smem:$0x3FB9];
	_ =	sdelay $0x3  }
0x37: {  	[smem:$0x3FB9] =	sst s10  }
0x38: {  	s10 =	sld [smem:$0x3FBA]  }
0x39: {  	_ = 	snop;
	(pc) =	sbr.ind lr, $3  }
0x3a: {  	_ = 	snop  }
0x3b: {  	_ = 	snop  }
0x3c: {  	p2 =	seq.s32 s10, $0x1;
	s10 =	sld [smem:$0x3FB9]  }
0x3d: {  	_ =	shalt  }
0x3e: {  	_ =	shalt  }
0x3f: {  	_ =	shalt  }
0x40: {  	_ =	shalt  }
0x41: {  	_ =	shalt  }
0x42: {  	_ =	shalt  }
0x43: {  	_ =	shalt  }
0x44: {  	_ =	shalt  }
0x45: {  	_ =	shalt  }
0x46: {  	_ =	shalt  }
0x47: {  	_ =	shalt  }
0x48: {  	_ =	shalt  }
0x49: {  	_ =	shalt  }
0x4a: {  	_ =	shalt  }
0x4b: {  	_ =	shalt  }
0x4c: {  	_ =	shalt  }
0x4d: {  	_ =	shalt  }
0x4e: {  	_ =	shalt  }
0x4f: {  	_ =	shalt  }
0x50: {  	_ =	shalt  }
0x51: {  	_ =	shalt  }
0x52: {  	_ =	shalt  }
0x53: {  	_ =	shalt  }
0x54: {  	_ =	shalt  }
0x55: {  	_ =	shalt  }
0x56: {  	_ =	shalt  }
0x57: {  	_ =	shalt  }
0x58: {  	_ =	shalt  }
0x59: {  	_ =	shalt  }
0x5a: {  	_ =	shalt  }
0x5b: {  	_ =	shalt  }
0x5c: {  	_ =	shalt  }
0x5d: {  	_ =	shalt  }
0x5e: {  	_ =	shalt  }
0x5f: {  	_ =	shalt  }
0x60: {  	_ =	shalt  }
0x61: {  	_ =	shalt  }
0x62: {  	_ =	shalt  }
0x63: {  	_ =	shalt  }
0x64: {  	_ =	shalt  }
0x65: {  	_ =	shalt  }
0x66: {  	_ =	shalt  }
0x67: {  	_ =	shalt  }
0x68: {  	_ =	shalt  }
0x69: {  	_ =	shalt  }
0x6a: {  	_ =	shalt  }
0x6b: {  	_ =	shalt  }
0x6c: {  	_ =	shalt  }
0x6d: {  	_ =	shalt  }
0x6e: {  	_ =	shalt  }
0x6f: {  	_ =	shalt  }
0x70: {  	_ =	shalt  }
0x71: {  	_ =	shalt  }
0x72: {  	_ =	shalt  }
0x73: {  	_ =	shalt  }
0x74: {  	_ =	shalt  }
0x75: {  	_ =	shalt  }
0x76: {  	_ =	shalt  }
0x77: {  	_ =	shalt  }
0x78: {  	_ =	shalt  }
0x79: {  	_ =	shalt  }
0x7a: {  	_ =	shalt  }
0x7b: {  	_ =	shalt  }
0x7c: {  	_ =	shalt  }
0x7d: {  	_ =	shalt  }
0x7e: {  	_ =	shalt  }
0x7f: {  	_ =	shalt  }
0x80: {  	_ =	shalt  }
0x81: {  	_ =	shalt  }
0x82: {  	_ =	shalt  }
0x83: {  	_ =	shalt  }
0x84: {  	_ =	shalt  }
0x85: {  	_ =	shalt  }
0x86: {  	_ =	shalt  }
0x87: {  	_ =	shalt  }
.Lfunc_end0:
.L_simem_size_0:
called_computation_lowered:
.L_overlay_start_0:
0x88: {  	s2 =	sld [smem:$0x3FD9]  }
0x89: {  	s3 =	sld [smem:$0x3FFE];
	_ =	sdelay $0x1  }
0x8a: {  	s1 =	srdreg.scid  }
0x8b: {  	s0 =	sand.u32 $0x1, s1  }
0x8c: {  	s17 =	sshll.u32 s0, $0xA;
	s2 =	sadd.s32 s3, s2  }
0x8d: {  	s2 =	sadd.s32 s2, s17  }
0x8e: {  	[smem:$0x3FC5] =	sst s2  }
0x8f: {  	_ = 	snop  }
0x90: {  	s2 =	sld [smem:$0x3FD0];
	(tm) =	ssettm $0x1  }
0x91: {  	s18 =	sld [smem:$0x3FFB];
	_ =	sdelay $0x3  }
0x92: {  	_ =	strace s18  }
0x93: {  	s3 =	sld [smem:$0x3FFC];
	_ =	sdelay $0x3  }
0x94: {  	_ =	strace s3  }
0x95: {  	s3 =	sld [smem:$0x3FFD];
	_ =	sdelay $0x3  }
0x96: {  	_ =	strace s3  }
0x97: {  	_ =	strace $0x8FFFFFFF  }
0x98: {  	s19 =	sld [smem:$0x3FDB];
	_ =	sdelay $0x1  }
0x99: {  	s4 =	simm.s32 $_scs_section_size  }
0x9a: {  	s5 =	simm.s32 $_size__tile_overlayer_lowered;
	s6 =	simm.s32 $_tile_overlayer_lowered  }
0x9b: {  	s22 =	simm.s32 $0x1BFF;
	s21 =	sshll.u32 s6, $0x1;
	s3 =	sadd.s32 s4, s19  }
0x9c: {  	s7 =	simm.s32 $0x0;
	s20 =	sshll.u32 s5, $0x1;
	s5 =	sadd.s32 s21, s3  }
0x9d: {  	[timem:s7], [sflag:s22] =	dma.local [hbm:s5], s20  }
0x9e: {  	_ =	swait.ge [sflag:s22], s20  }
0x9f: {  	s4 =	ssub.s32 $0x0, s20;
	[sflag:s22] =	ssyncset.done $0x0  }
0xa0: {  	[sflag:s22] =	ssyncadd.s32 s4;
	_ =	sdelay $0x1  }
0xa1: {  	s23 =	simm.s32 $0x1B8B  }
0xa2: {  	_ =	swait.ge [sflag:s23], $0x1  }
0xa3: {  	[sflag:s23] =	ssyncset.done $0x0  }
0xa4: {  	s25 =	simm.s32 $0x1B8E;
	s24 =	sld [smem:$0x3FFE];
	[sflag:s23] =	ssyncadd.s32 $0xFFFFFFFF  }
0xa5: {  	s26 =	simm.s32 $execute0_lowered;
	[smem:$0x3FD2] =	sst s25  }
0xa6: {  	s5 =	sshll.u32 s26, $0x1;
	_ =	strace $0x80000046;
	[dreg:$0x1] =	wrdreg $0xFFFFFFFF  }
0xa7: {  	s28 =	simm.s32 $_size_execute0_lowered;
	s3 =	sadd.s32 s3, s5;
	[dreg:$0x0] =	wrdreg $0x0  }
0xa8: {  	s5 =	sshll.u32 s28, $0x1;
	[dreg:$0x2] =	wrdreg s3  }
0xa9: {  	[dreg:$0x3] =	wrdreg s5  }
0xaa: {  	[dreg:$0x4] =	wrdreg $0xC0  }
0xab: {  	_ =	task [dreg:s7], $0x5FFFF  }
0xac: {  	[dreg:$0x1] =	wrdreg $0xFFFFFFFF  }
0xad: {  	[dreg:$0x0] =	wrdreg $0x60  }
0xae: {  	[dreg:$0x2] =	wrdreg s2  }
0xaf: {  	[dreg:$0x3] =	wrdreg s24  }
0xb0: {  	[dreg:$0x4] =	wrdreg $0x9  }
0xb1: {  	_ =	task.clear_ibuf [dreg:s7], $0x5FFFF;
	_ =	strace $0x90000046  }
0xb2: {  	s29 =	simm.s32 $0x9;
	_ =	strace $0x80000048  }
0xb3: {  	_ =	swait.ge [sflag:s29], $0x1  }
0xb4: {  	[sflag:s29] =	ssyncadd.s32 $0xFFFFFFFF  }
0xb5: {  	_ =	strace $0x90000048  }
0xb6: {  	_ =	sfence  }
0xb7: {  	s30 =	sld [smem:$0x0];
	_ =	sdelay $0x2  }
0xb8: {  	s31 =	sshll.u32 s1, $0xD;
	s1 =	sshrl.u32 s1, $0x2  }
0xb9: {  	s3 =	sand.u32 $0x4000, s31;
	s1 =	sadd.s32 s1, s30  }
0xba: {  	s0 =	sor.u32 s3, s0;
	s1 =	sshll.u32 s1, $0x11  }
0xbb: {  	s0 =	sor.u32 s1, s0  }
0xbc: {  	s0 =	sadd.s32 $0x8F2B, s0  }
0xbd: {  	[sflag:s0] =	ssyncadd.remote.s32 $0x1  }
0xbe: {  	_ =	sfence.sel $0xFFFF  }
0xbf: {  	[dreg:$0x0] =	wrdreg $0xFFFFFFFF;
	(pc) =	sbr.abs _section_cstart, $3  }
0xc0: {  	[dreg:$0x1] =	wrdreg $0xFFFFFFFF  }
0xc1: {  	_ =	task.clear_ibuf [dreg:s7], $0x2FFFF;
	_ =	strace $0x9FFFFFFF  }
0xc2: {  	(tm) =	ssettm $0x7FFFFFFF  }
0xc3: {  	_ =	shalt  }
tec
execute0_lowered:
.L_overlay_start_1:
0x0: {  	(tag) =	ssettag $0x1  }
0x1: {  	s0 =	rddreg [dreg:$0x0]  }
0x2: {  	s1 =	rddreg [dreg:$0x1];
	s2 =	srdreg.scid  }
0x3: {  	s9 =	stileid.u32;
	s10 =	simm.s32 $0x32;
	s11 =	simm.s32 $0x4000  }
0x4: {  	s13 =	simm.s32 $0x5C00;
	s15 =	simm.s32 $0x7800;
	s16 =	simm.s32 $0x180  }
0x5: {  	s17 =	simm.s32 $0x9400;
	s18 =	simm.s32 $0x200;
	s19 =	simm.s32 $0xB000  }
0x6: {  	s20 =	simm.s32 $0x280;
	s21 =	simm.s32 $0xCC00;
	s28 =	simm.s32 $0x3  }
0x7: {  	s29 =	simm.s32 $0x2;
	s30 =	simm.s32 $0x4;
	s31 =	simm.s32 $0x0  }
0x8: {  	s5 =	sand.u32 $0x1, s2;
	s2 =	simm.s32 $0x0;
	s3 =	sshll.u32 s9, $0x8  }
0x9: {  	s23 =	smul.u32 $0x38000, s9;
	s9 =	simm.s32 $0x5;
	s4 =	sshll.u32 s5, $0x7  }
0xa: {  	[smem:$0x7FF] =	sst s2;
	s6 =	ssub.s32 $0x2, s5;
	s25 =	smul.u32 $0x1C000, s5  }
0xb: {  	s4 =	sor.u32 s4, s3;
	_ =	strace $0x80000047;
	s7 =	sshrl.u32 s6, $0x1  }
0xc: {  	s3 =	sadd.s32 $0xC00, s1;
	s1 =	sadd.s32 $0x1E00, s1;
	s8 =	smul.u32 $0x1C00, s4  }
0xd: {  	s7 =	ssub.s32 s6, s7;
	s4 =	sshll.u32 s4, $0x4;
	s26 =	sadd.s32 s23, s1  }
0xe: {  	s23 =	simm.s32 $0xE800;
	s4 =	sadd.s32 s0, s4;
	s7 =	smax.u32 s7, $0x1  }
0xf: {  	s22 =	sshrl.u32 s8, $0x3;
	s8 =	sadd.s32 s25, s26;
	s25 =	simm.s32 $0x10400  }
0x10: {  	s26 =	simm.s32 $0x1;
	s24 =	sadd.s32 s1, s22;
	s22 =	simm.s32 $0x300  }
0x11: {  	s5 =	sadd.s32 $0x1A400, s24;
	s6 =	sadd.s32 $0x1B200, s24;
	s24 =	simm.s32 $0x380  }
.LBB2_1:
0x12: {  	[tilespmem:s2], [sflag:$0x5] =	stream.linear.gather [hbm4b:s4+s2], $0x4000, $0x38;
	[tilespmem:$0x12000] =	vst v63  }
0x13: {  	_ =	swait.ge [sflag:s9], $0x4000  }
0x14: {  	[sflag:s9] =	ssyncset.done $0x0  }
0x15: {  	[sflag:s9] =	ssyncadd.s32 $0xFFFFC000  }
0x16: {  	[tilespmem:s11], [sflag:$0x1] =	stream.indirect.gather [hbm4b:s3+s10], $0x80, s2, s10, $0xb8;
	[tilespmem:$0x12000] =	vst v63  }
0x17: {  	s0 =	simm.s32 $0x80  }
0x18: {  	[tilespmem:s13], [sflag:$0x1] =	stream.indirect.gather [hbm4b:s3+s10], $0x80, s0, s10, $0xb8;
	[tilespmem:$0x12000] =	vst v63  }
0x19: {  	s1 =	simm.s32 $0x100  }
0x1a: {  	[tilespmem:s15], [sflag:$0x1] =	stream.indirect.gather [hbm4b:s3+s10], $0x80, s1, s10, $0xb8;
	[tilespmem:$0x12000] =	vst v63  }
0x1b: {  	_ = 	snop  }
0x1c: {  	[tilespmem:s17], [sflag:$0x1] =	stream.indirect.gather [hbm4b:s3+s10], $0x80, s16, s10, $0xb8;
	[tilespmem:$0x12000] =	vst v63  }
0x1d: {  	_ = 	snop  }
0x1e: {  	[tilespmem:s19], [sflag:$0x2] =	stream.indirect.gather [hbm4b:s3+s10], $0x80, s18, s10, $0xb8;
	[tilespmem:$0x12000] =	vst v63  }
0x1f: {  	_ = 	snop  }
0x20: {  	[tilespmem:s21], [sflag:$0x2] =	stream.indirect.gather [hbm4b:s3+s10], $0x80, s20, s10, $0xb8;
	[tilespmem:$0x12000] =	vst v63  }
0x21: {  	_ = 	snop  }
0x22: {  	[tilespmem:s23], [sflag:$0x2] =	stream.indirect.gather [hbm4b:s3+s10], $0x80, s22, s10, $0xb8;
	[tilespmem:$0x12000] =	vst v63  }
0x23: {  	_ = 	snop  }
0x24: {  	[tilespmem:s25], [sflag:$0x2] =	stream.indirect.gather [hbm4b:s3+s10], $0x80, s24, s10, $0xb8;
	[tilespmem:$0x12000] =	vst v63  }
0x25: {  	_ =	swait.ge [sflag:s26], $0x1900  }
0x26: {  	[sflag:s26] =	ssyncset.done $0x0  }
0x27: {  	[sflag:s26] =	ssyncadd.s32 $0xFFFFE700  }
0x28: {  	_ =	swait.ge [sflag:s26], $0x1900  }
0x29: {  	[sflag:s26] =	ssyncset.done $0x0  }
0x2a: {  	[sflag:s26] =	ssyncadd.s32 $0xFFFFE700  }
0x2b: {  	_ =	swait.ge [sflag:s26], $0x1900  }
0x2c: {  	[sflag:s26] =	ssyncset.done $0x0  }
0x2d: {  	[sflag:s26] =	ssyncadd.s32 $0xFFFFE700  }
0x2e: {  	_ =	swait.ge [sflag:s26], $0x1900  }
0x2f: {  	[sflag:s26] =	ssyncset.done $0x0  }
0x30: {  	[sflag:s26] =	ssyncadd.s32 $0xFFFFE700  }
0x31: {  	[hbm4b:s8+s2] =	stream.linear.scatter [tilespmem:s11], [sflag:$0x3], $0x1900, $0x38;
	[tilespmem:$0x12000] =	vst v63  }
0x32: {  	s12 =	sadd.s32 $0x380, s8  }
0x33: {  	[hbm4b:s12+s2] =	stream.linear.scatter [tilespmem:s13], [sflag:$0x3], $0x1900, $0x38;
	[tilespmem:$0x12000] =	vst v63  }
0x34: {  	s14 =	sadd.s32 $0x700, s8  }
0x35: {  	[hbm4b:s14+s2] =	stream.linear.scatter [tilespmem:s15], [sflag:$0x3], $0x1900, $0x38;
	[tilespmem:$0x12000] =	vst v63  }
0x36: {  	s1 =	sadd.s32 $0xA80, s8  }
0x37: {  	[hbm4b:s1+s2] =	stream.linear.scatter [tilespmem:s17], [sflag:$0x3], $0x1900, $0x38;
	[tilespmem:$0x12000] =	vst v63  }
0x38: {  	_ =	swait.ge [sflag:s28], $0x6400  }
0x39: {  	[sflag:s28] =	ssyncset.done $0x0  }
0x3a: {  	s12 =	simm.s32 $0x400;
	[sflag:s28] =	ssyncadd.s32 $0xFFFF9C00  }
0x3b: {  	[tilespmem:s11], [sflag:$0x1] =	stream.indirect.gather [hbm4b:s3+s10], $0x80, s12, s10, $0xb8;
	[tilespmem:$0x12000] =	vst v63  }
0x3c: {  	s14 =	simm.s32 $0x480  }
0x3d: {  	[tilespmem:s13], [sflag:$0x1] =	stream.indirect.gather [hbm4b:s3+s10], $0x80, s14, s10, $0xb8;
	[tilespmem:$0x12000] =	vst v63  }
0x3e: {  	s1 =	simm.s32 $0x500  }
0x3f: {  	[tilespmem:s15], [sflag:$0x1] =	stream.indirect.gather [hbm4b:s3+s10], $0x80, s1, s10, $0xb8;
	[tilespmem:$0x12000] =	vst v63  }
0x40: {  	s12 =	simm.s32 $0x580  }
0x41: {  	[tilespmem:s17], [sflag:$0x1] =	stream.indirect.gather [hbm4b:s3+s10], $0x80, s12, s10, $0xb8;
	[tilespmem:$0x12000] =	vst v63  }
0x42: {  	_ =	swait.ge [sflag:s29], $0x1900  }
0x43: {  	[sflag:s29] =	ssyncset.done $0x0  }
0x44: {  	[sflag:s29] =	ssyncadd.s32 $0xFFFFE700  }
0x45: {  	_ =	swait.ge [sflag:s29], $0x1900  }
0x46: {  	[sflag:s29] =	ssyncset.done $0x0  }
0x47: {  	[sflag:s29] =	ssyncadd.s32 $0xFFFFE700  }
0x48: {  	_ =	swait.ge [sflag:s29], $0x1900  }
0x49: {  	[sflag:s29] =	ssyncset.done $0x0  }
0x4a: {  	[sflag:s29] =	ssyncadd.s32 $0xFFFFE700  }
0x4b: {  	_ =	swait.ge [sflag:s29], $0x1900  }
0x4c: {  	[sflag:s29] =	ssyncset.done $0x0  }
0x4d: {  	s14 =	sadd.s32 $0xE00, s8;
	[sflag:s29] =	ssyncadd.s32 $0xFFFFE700  }
0x4e: {  	[hbm4b:s14+s2] =	stream.linear.scatter [tilespmem:s19], [sflag:$0x4], $0x1900, $0x38;
	[tilespmem:$0x12000] =	vst v63  }
0x4f: {  	s1 =	sadd.s32 $0x1180, s8  }
0x50: {  	[hbm4b:s1+s2] =	stream.linear.scatter [tilespmem:s21], [sflag:$0x4], $0x1900, $0x38;
	[tilespmem:$0x12000] =	vst v63  }
0x51: {  	s12 =	sadd.s32 $0x1500, s8  }
0x52: {  	[hbm4b:s12+s2] =	stream.linear.scatter [tilespmem:s23], [sflag:$0x4], $0x1900, $0x38;
	[tilespmem:$0x12000] =	vst v63  }
0x53: {  	s14 =	sadd.s32 $0x1880, s8  }
0x54: {  	[hbm4b:s14+s2] =	stream.linear.scatter [tilespmem:s25], [sflag:$0x4], $0x1900, $0x38;
	[tilespmem:$0x12000] =	vst v63  }
0x55: {  	_ =	swait.ge [sflag:s30], $0x6400  }
0x56: {  	[sflag:s30] =	ssyncset.done $0x0  }
0x57: {  	s1 =	simm.s32 $0x600;
	[sflag:s30] =	ssyncadd.s32 $0xFFFF9C00  }
0x58: {  	[tilespmem:s19], [sflag:$0x2] =	stream.indirect.gather [hbm4b:s3+s10], $0x80, s1, s10, $0xb8;
	[tilespmem:$0x12000] =	vst v63  }
0x59: {  	s0 =	simm.s32 $0x1000;
	s12 =	simm.s32 $0x680  }
0x5a: {  	[tilespmem:s21], [sflag:$0x2] =	stream.indirect.gather [hbm4b:s3+s10], $0x80, s12, s10, $0xb8;
	[tilespmem:$0x12000] =	vst v63  }
0x5b: {  	s14 =	simm.s32 $0x700;
	s1 =	sadd.s32 $0x1C00, s8;
	s12 =	simm.s32 $0x780  }
0x5c: {  	[tilespmem:s23], [sflag:$0x2] =	stream.indirect.gather [hbm4b:s3+s10], $0x80, s14, s10, $0xb8;
	[tilespmem:$0x12000] =	vst v63  }
.LBB2_2:
0x5d: {  	[tilespmem:s25], [sflag:$0x2] =	stream.indirect.gather [hbm4b:s3+s10], $0x80, s12, s10, $0xb8;
	[tilespmem:$0x12000] =	vst v63  }
0x5e: {  	s12 =	smov.u32 s0  }
0x5f: {  	p0 =	sne.s32 s0, $0xE000;
	s0 =	sadd.s32 $0x1000, s0;
	_ =	swait.ge [sflag:s26], $0x1900  }
0x60: {  	[sflag:s26] =	ssyncset.done $0x0  }
0x61: {  	[sflag:s26] =	ssyncadd.s32 $0xFFFFE700  }
0x62: {  	_ =	swait.ge [sflag:s26], $0x1900  }
0x63: {  	[sflag:s26] =	ssyncset.done $0x0  }
0x64: {  	[sflag:s26] =	ssyncadd.s32 $0xFFFFE700  }
0x65: {  	_ =	swait.ge [sflag:s26], $0x1900  }
0x66: {  	[sflag:s26] =	ssyncset.done $0x0  }
0x67: {  	[sflag:s26] =	ssyncadd.s32 $0xFFFFE700  }
0x68: {  	_ =	swait.ge [sflag:s26], $0x1900  }
0x69: {  	[sflag:s26] =	ssyncset.done $0x0  }
0x6a: {  	[sflag:s26] =	ssyncadd.s32 $0xFFFFE700  }
0x6b: {  	[hbm4b:s1+s2] =	stream.linear.scatter [tilespmem:s11], [sflag:$0x3], $0x1900, $0x38;
	[tilespmem:$0x12000] =	vst v63  }
0x6c: {  	s14 =	sadd.s32 $0x380, s1  }
0x6d: {  	[hbm4b:s14+s2] =	stream.linear.scatter [tilespmem:s13], [sflag:$0x3], $0x1900, $0x38;
	[tilespmem:$0x12000] =	vst v63  }
0x6e: {  	s14 =	sadd.s32 $0x700, s1  }
0x6f: {  	[hbm4b:s14+s2] =	stream.linear.scatter [tilespmem:s15], [sflag:$0x3], $0x1900, $0x38;
	[tilespmem:$0x12000] =	vst v63  }
0x70: {  	s14 =	sadd.s32 $0xA80, s1  }
0x71: {  	[hbm4b:s14+s2] =	stream.linear.scatter [tilespmem:s17], [sflag:$0x3], $0x1900, $0x38;
	[tilespmem:$0x12000] =	vst v63  }
0x72: {  	_ =	swait.ge [sflag:s28], $0x6400  }
0x73: {  	s12 =	sshra.s32 s12, $0x2;
	[sflag:s28] =	ssyncset.done $0x0  }
0x74: {  	s14 =	sadd.s32 $0x400, s12;
	[sflag:s28] =	ssyncadd.s32 $0xFFFF9C00  }
0x75: {  	[tilespmem:s11], [sflag:$0x1] =	stream.indirect.gather [hbm4b:s3+s10], $0x80, s14, s10, $0xb8;
	[tilespmem:$0x12000] =	vst v63  }
0x76: {  	s14 =	sadd.s32 $0x480, s12  }
0x77: {  	[tilespmem:s13], [sflag:$0x1] =	stream.indirect.gather [hbm4b:s3+s10], $0x80, s14, s10, $0xb8;
	[tilespmem:$0x12000] =	vst v63  }
0x78: {  	s14 =	sadd.s32 $0x500, s12  }
0x79: {  	[tilespmem:s15], [sflag:$0x1] =	stream.indirect.gather [hbm4b:s3+s10], $0x80, s14, s10, $0xb8;
	[tilespmem:$0x12000] =	vst v63  }
0x7a: {  	s14 =	sadd.s32 $0x580, s12  }
0x7b: {  	[tilespmem:s17], [sflag:$0x1] =	stream.indirect.gather [hbm4b:s3+s10], $0x80, s14, s10, $0xb8;
	[tilespmem:$0x12000] =	vst v63  }
0x7c: {  	_ =	swait.ge [sflag:s29], $0x1900  }
0x7d: {  	[sflag:s29] =	ssyncset.done $0x0  }
0x7e: {  	[sflag:s29] =	ssyncadd.s32 $0xFFFFE700  }
0x7f: {  	_ =	swait.ge [sflag:s29], $0x1900  }
0x80: {  	[sflag:s29] =	ssyncset.done $0x0  }
0x81: {  	[sflag:s29] =	ssyncadd.s32 $0xFFFFE700  }
0x82: {  	_ =	swait.ge [sflag:s29], $0x1900  }
0x83: {  	[sflag:s29] =	ssyncset.done $0x0  }
0x84: {  	[sflag:s29] =	ssyncadd.s32 $0xFFFFE700  }
0x85: {  	_ =	swait.ge [sflag:s29], $0x1900  }
0x86: {  	[sflag:s29] =	ssyncset.done $0x0  }
0x87: {  	s14 =	sadd.s32 $0xE00, s1;
	[sflag:s29] =	ssyncadd.s32 $0xFFFFE700  }
0x88: {  	[hbm4b:s14+s2] =	stream.linear.scatter [tilespmem:s19], [sflag:$0x4], $0x1900, $0x38;
	[tilespmem:$0x12000] =	vst v63  }
0x89: {  	s14 =	sadd.s32 $0x1180, s1  }
0x8a: {  	[hbm4b:s14+s2] =	stream.linear.scatter [tilespmem:s21], [sflag:$0x4], $0x1900, $0x38;
	[tilespmem:$0x12000] =	vst v63  }
0x8b: {  	s14 =	sadd.s32 $0x1500, s1  }
0x8c: {  	[hbm4b:s14+s2] =	stream.linear.scatter [tilespmem:s23], [sflag:$0x4], $0x1900, $0x38;
	[tilespmem:$0x12000] =	vst v63  }
0x8d: {  	s14 =	sadd.s32 $0x1880, s1  }
0x8e: {  	[hbm4b:s14+s2] =	stream.linear.scatter [tilespmem:s25], [sflag:$0x4], $0x1900, $0x38;
	[tilespmem:$0x12000] =	vst v63  }
0x8f: {  	_ =	swait.ge [sflag:s30], $0x6400  }
0x90: {  	[sflag:s30] =	ssyncset.done $0x0  }
0x91: {  	s14 =	sadd.s32 $0x600, s12;
	[sflag:s30] =	ssyncadd.s32 $0xFFFF9C00  }
0x92: {  	[tilespmem:s19], [sflag:$0x2] =	stream.indirect.gather [hbm4b:s3+s10], $0x80, s14, s10, $0xb8;
	[tilespmem:$0x12000] =	vst v63  }
.Ltmp0:
0x93: {  	s14 =	sadd.s32 $0x680, s12;
	(pc) =	sbr.rel @p0 .LBB2_2-.Ltmp0, $4  }
0x94: {  	[tilespmem:s21], [sflag:$0x2] =	stream.indirect.gather [hbm4b:s3+s10], $0x80, s14, s10, $0xb8;
	[tilespmem:$0x12000] =	vst v63  }
0x95: {  	s14 =	sadd.s32 $0x700, s12  }
0x96: {  	[tilespmem:s23], [sflag:$0x2] =	stream.indirect.gather [hbm4b:s3+s10], $0x80, s14, s10, $0xb8;
	[tilespmem:$0x12000] =	vst v63  }
0x97: {  	s1 =	sadd.s32 $0x1C00, s1;
	s12 =	sadd.s32 $0x780, s12  }
0x98: {  	[tilespmem:s25], [sflag:$0x2] =	stream.indirect.gather [hbm4b:s3+s10], $0x80, s12, s10, $0xb8;
	[tilespmem:$0x12000] =	vst v63  }
0x99: {  	_ =	swait.ge [sflag:s26], $0x1900  }
0x9a: {  	[sflag:s26] =	ssyncset.done $0x0  }
0x9b: {  	[sflag:s26] =	ssyncadd.s32 $0xFFFFE700  }
0x9c: {  	_ =	swait.ge [sflag:s26], $0x1900  }
0x9d: {  	[sflag:s26] =	ssyncset.done $0x0  }
0x9e: {  	[sflag:s26] =	ssyncadd.s32 $0xFFFFE700  }
0x9f: {  	_ =	swait.ge [sflag:s26], $0x1900  }
0xa0: {  	[sflag:s26] =	ssyncset.done $0x0  }
0xa1: {  	[sflag:s26] =	ssyncadd.s32 $0xFFFFE700  }
0xa2: {  	_ =	swait.ge [sflag:s26], $0x1900  }
0xa3: {  	[sflag:s26] =	ssyncset.done $0x0  }
0xa4: {  	[sflag:s26] =	ssyncadd.s32 $0xFFFFE700  }
0xa5: {  	[hbm4b:s5+s2] =	stream.linear.scatter [tilespmem:s11], [sflag:$0x3], $0x1900, $0x38;
	[tilespmem:$0x12000] =	vst v63  }
0xa6: {  	s0 =	sadd.s32 $0x380, s5  }
0xa7: {  	[hbm4b:s0+s2] =	stream.linear.scatter [tilespmem:s13], [sflag:$0x3], $0x1900, $0x38;
	[tilespmem:$0x12000] =	vst v63  }
0xa8: {  	s12 =	sadd.s32 $0x700, s5  }
0xa9: {  	[hbm4b:s12+s2] =	stream.linear.scatter [tilespmem:s15], [sflag:$0x3], $0x1900, $0x38;
	[tilespmem:$0x12000] =	vst v63  }
0xaa: {  	s14 =	sadd.s32 $0xA80, s5  }
0xab: {  	[hbm4b:s14+s2] =	stream.linear.scatter [tilespmem:s17], [sflag:$0x3], $0x1900, $0x38;
	[tilespmem:$0x12000] =	vst v63  }
0xac: {  	_ =	swait.ge [sflag:s28], $0x6400  }
0xad: {  	[sflag:s28] =	ssyncset.done $0x0  }
0xae: {  	[sflag:s28] =	ssyncadd.s32 $0xFFFF9C00  }
0xaf: {  	_ =	swait.ge [sflag:s29], $0x1900  }
0xb0: {  	[sflag:s29] =	ssyncset.done $0x0  }
0xb1: {  	[sflag:s29] =	ssyncadd.s32 $0xFFFFE700  }
0xb2: {  	_ =	swait.ge [sflag:s29], $0x1900  }
0xb3: {  	[sflag:s29] =	ssyncset.done $0x0  }
0xb4: {  	[sflag:s29] =	ssyncadd.s32 $0xFFFFE700  }
0xb5: {  	_ =	swait.ge [sflag:s29], $0x1900  }
0xb6: {  	[sflag:s29] =	ssyncset.done $0x0  }
0xb7: {  	[sflag:s29] =	ssyncadd.s32 $0xFFFFE700  }
0xb8: {  	_ =	swait.ge [sflag:s29], $0x1900  }
0xb9: {  	[sflag:s29] =	ssyncset.done $0x0  }
0xba: {  	[sflag:s29] =	ssyncadd.s32 $0xFFFFE700  }
0xbb: {  	[hbm4b:s6+s2] =	stream.linear.scatter [tilespmem:s19], [sflag:$0x4], $0x1900, $0x38;
	[tilespmem:$0x12000] =	vst v63  }
0xbc: {  	s1 =	sadd.s32 $0x380, s6;
	s31 =	sadd.s32 $0x1, s31  }
0xbd: {  	[hbm4b:s1+s2] =	stream.linear.scatter [tilespmem:s21], [sflag:$0x4], $0x1900, $0x38;
	[tilespmem:$0x12000] =	vst v63  }
0xbe: {  	p0 =	sne.s32 s31, s7;
	s12 =	sadd.s32 $0x700, s6  }
0xbf: {  	[hbm4b:s12+s2] =	stream.linear.scatter [tilespmem:s23], [sflag:$0x4], $0x1900, $0x38;
	[tilespmem:$0x12000] =	vst v63  }
.Ltmp1:
0xc0: {  	s14 =	sadd.s32 $0xA80, s6;
	(pc) =	sbr.rel @p0 .LBB2_1-.Ltmp1, $4  }
0xc1: {  	[hbm4b:s14+s2] =	stream.linear.scatter [tilespmem:s25], [sflag:$0x4], $0x1900, $0x38;
	[tilespmem:$0x12000] =	vst v63  }
0xc2: {  	_ =	swait.ge [sflag:s30], $0x6400  }
0xc3: {  	[sflag:s30] =	ssyncset.done $0x0  }
0xc4: {  	[sflag:s30] =	ssyncadd.s32 $0xFFFF9C00  }
0xc5: {  	_ =	sfence.sel $0x180000  }
0xc6: {  	[bflag:$0x0] =	sbarrier.arrive $0xFFFF  }
0xc7: {  	_ =	strace $0x90000047  }
0xc8: {  	s0 =	stileid.u32;
	[bflag:$0x2] =	sbarrier.arrive $0xFFFF  }
0xc9: {  	p0 =	sne.s32 s0, $0x0;
	s0 =	rddreg [dreg:$0x2]  }
0xca: {  	s0 =	sadd.s32 @!p0 $0x100000, s0  }
0xcb: {  	[sflag:s0] =	ssyncadd.tile.s32 @!p0 $0x1;
	_ =	shalt  }
.Lfunc_end2:
_tile_overlayer_lowered:
.L_overlay_start_2:
0xcc: {  	(tag) =	ssettag $0x2  }
0xcd: {  	s0 =	rddreg [dreg:$0x0];
	s2 =	stileid.u32  }
0xce: {  	s1 =	rddreg [dreg:$0x1];
	p0 =	sne.s32 s2, $0x0  }
0xcf: {  	s3 =	rddreg [dreg:$0x2];
	[bflag:$0x3] =	sbarrier.arrive $0xFFFF;
	s2 =	simm.s32 @!p0 $0x1C05  }
0xd0: {  	[timem:s3], [sflag:s2] =	dma.local @!p0 [hbm:s0], s1  }
0xd1: {  	s0 =	simm.s32 @!p0 $0x5  }
0xd2: {  	_ =	swait.ge @!p0 [sflag:s0], s1  }
0xd3: {  	s1 =	ssub.s32 @!p0 $0x0, s1;
	[sflag:s0] =	ssyncset.done @!p0 $0x0  }
0xd4: {  	[sflag:s0] =	ssyncadd.s32 @!p0 s1  }
0xd5: {  	[bflag:$0x3] =	sbarrier.arrive $0xFFFF  }
0xd6: {  	_ =	shalt  }

</sc_bundles>
